<compile_context>
chip_gen: v7x
topology: tpu7x:2x2x1
jax: 0.10.2.dev20260603
libtpu: 0.0.44.dev20260713+nightly
codegen_flags: <defaults>
</compile_context>

<pallas_src>
import functools

import jax
import jax.numpy as jnp
from jax import lax
from jax.experimental import pallas as pl
from jax.experimental.pallas import tpu as pltpu
from jax.experimental.pallas import tpu_sc as plsc

BS = 8
SEQ_LEN = 256
ENC_IN = 32
D_MODEL = 128
N_FREQ_MODES = 32
N_BINS = SEQ_LEN // 2 + 1
FPAD = SEQ_LEN

_HI = jax.lax.Precision.HIGHEST


def _dot(a, b):
    return jax.lax.dot(a, b, precision=_HI)


def _main_body(x_ref, mask_ref, cos_ref, sin_ref, wtime_ref, btime_ref,
               wfreq_ref, bfreq_ref, wstat_ref, bstat_ref, wtemp_ref,
               btemp_ref, wfhe_ref, bfhe_ref, wcross_ref, bcross_ref,
               tn_ref, fn_ref, sn_ref, the_ref, fhe_ref, cross_ref):
    f32 = jnp.float32
    x = x_ref[0]
    mask = mask_ref[0]

    wt = wtime_ref[...].reshape(1, 1, D_MODEL)
    bt = btime_ref[...].reshape(1, 1, D_MODEL)
    tn = jnp.maximum(x[:, :, None] * wt + bt, 0.0)
    tn_ref[0] = tn
    tn_mean_c = jnp.mean(tn, axis=1)
    the_ref[0] = _dot(tn_mean_c, wtemp_ref[...]) + btemp_ref[...]
    tmean = jnp.mean(tn_mean_c, axis=0, keepdims=True)

    re = _dot(cos_ref[...], x)
    im = -_dot(sin_ref[...], x)
    mag = jnp.sqrt(re * re + im * im)
    mag_col = jnp.mean(mag, axis=1, keepdims=True)
    sub2 = lax.broadcasted_iota(jnp.int32, (FPAD, 1), 0)
    mag_col = jnp.where(sub2 < N_BINS, mag_col, -1.0)

    eyeF = (lax.broadcasted_iota(jnp.int32, (FPAD, FPAD), 0)
            == lax.broadcasted_iota(jnp.int32, (FPAD, FPAD), 1)).astype(f32)
    ones_row = jnp.ones((1, FPAD), f32)
    mag_row = _dot(ones_row, eyeF * mag_col)

    lane_i = lax.broadcasted_iota(jnp.int32, (FPAD, FPAD), 1)
    sub_i = lax.broadcasted_iota(jnp.int32, (FPAD, FPAD), 0)
    beats = (mag_row > mag_col) | ((mag_row == mag_col) & (lane_i < sub_i))
    rank_col = jnp.sum(beats.astype(f32), axis=1, keepdims=True)
    rank_row = _dot(ones_row, eyeF * rank_col)
    r_iota = lax.broadcasted_iota(jnp.int32, (N_FREQ_MODES, FPAD), 0)
    onehot = (rank_row.astype(jnp.int32) == r_iota).astype(f32)
    sel_re = _dot(onehot, re)
    sel_im = _dot(onehot, im)

    wf = wfreq_ref[...]
    wf0 = wf[0:1, :].reshape(1, 1, D_MODEL)
    wf1 = wf[1:2, :].reshape(1, 1, D_MODEL)
    bf = bfreq_ref[...].reshape(1, 1, D_MODEL)
    fn = jnp.maximum(sel_re[:, :, None] * wf0 + sel_im[:, :, None] * wf1 + bf,
                     0.0)
    fn_ref[0] = fn
    fn_mean = jnp.mean(fn, axis=1)
    fhe_ref[0] = _dot(fn_mean, wfhe_ref[...]) + bfhe_ref[...]
    fmean = jnp.mean(fn_mean, axis=0, keepdims=True)

    mx = x * mask
    n_obs = jnp.maximum(jnp.sum(mask, axis=0, keepdims=True), 1.0)
    mean_r = jnp.sum(mx, axis=0, keepdims=True) / n_obs
    var_r = jnp.sum(((mx - mean_r) ** 2) * mask, axis=0, keepdims=True) / n_obs
    tcol = lax.broadcasted_iota(jnp.int32, (SEQ_LEN, ENC_IN), 0).astype(f32)
    tbar = (SEQ_LEN - 1) / 2.0
    trend_r = jnp.sum(mx * tcol * mask, axis=0, keepdims=True) / n_obs \
        - mean_r * tbar

    eyeC = (lax.broadcasted_iota(jnp.int32, (ENC_IN, ENC_IN), 0)
            == lax.broadcasted_iota(jnp.int32, (ENC_IN, ENC_IN), 1)).astype(f32)
    ones_colC = jnp.ones((ENC_IN, 1), f32)

    def row_to_col(r):
        return _dot(eyeC * r, ones_colC)

    sfT = jnp.concatenate(
        [row_to_col(mean_r), row_to_col(var_r), row_to_col(trend_r)], axis=1)
    stat_base = jnp.maximum(_dot(sfT, wstat_ref[...]) + bstat_ref[...], 0.0)
    sn_ref[0] = jnp.broadcast_to(stat_base[None], (3, ENC_IN, D_MODEL))
    smean = jnp.mean(stat_base, axis=0, keepdims=True)

    cross_cat = jnp.concatenate([tmean, fmean, smean], axis=0)
    cross_ref[0] = _dot(cross_cat, wcross_ref[...]) + bcross_ref[...]


_NC, _NS = 2, 16
_NW = _NC * _NS
_ROWS = BS * SEQ_LEN
_RPW = _ROWS // _NW
_NCOL = SEQ_LEN * ENC_IN


def _inc_sc_body(mask_hbm, out_hbm, maskv, z0, z1, sem0, sem1):
    f32 = jnp.float32
    wid = lax.axis_index("s") * _NC + lax.axis_index("c")
    base = wid * _RPW
    pltpu.sync_copy(mask_hbm.at[pl.ds(2 * base, 2 * _RPW)], maskv)

    zeros16 = jnp.zeros((16,), f32)

    def zb(i, c):
        z0[pl.ds(i * 16, 16)] = zeros16
        z1[pl.ds(i * 16, 16)] = zeros16
        return c

    lax.fori_loop(0, _NCOL // 16, zb, 0)

    bufs = (z0, z1)
    sems = (sem0, sem1)

    def body(i, c):
        for k in range(2):
            r = 2 * i + k
            g = base + r
            off = lax.rem(g, SEQ_LEN) * ENC_IN
            zk = bufs[k]
            sk = sems[k]

            @pl.when(i > 0)
            def _():
                pltpu.make_async_copy(zk, out_hbm.at[g - 2], sk).wait()
                poff = lax.rem(g - 2, SEQ_LEN) * ENC_IN
                zk[pl.ds(poff, 16)] = zeros16
                zk[pl.ds(poff + 16, 16)] = zeros16

            zk[pl.ds(off, 16)] = maskv[2 * r]
            zk[pl.ds(off + 16, 16)] = maskv[2 * r + 1]
            pltpu.async_copy(zk, out_hbm.at[g], sk)
        return c

    lax.fori_loop(0, _RPW // 2, body, 0)

    for k in range(2):
        g = base + _RPW - 2 + k
        pltpu.make_async_copy(bufs[k], out_hbm.at[g], sems[k]).wait()


@functools.partial(jax.jit, static_argnames=())
def kernel(x, mask, W_time, b_time, W_freq, b_freq, W_stat, b_stat,
           W_temp, b_temp, W_fhe, b_fhe, W_cross, b_cross):
    f32 = jnp.float32
    f_idx = jnp.arange(FPAD, dtype=f32)[:, None]
    t_idx = jnp.arange(SEQ_LEN, dtype=f32)[None, :]
    ang = (2.0 * jnp.pi / SEQ_LEN) * f_idx * t_idx
    live = (f_idx < N_BINS).astype(f32)
    cos_m = jnp.cos(ang) * live
    sin_m = jnp.sin(ang) * live

    b_time2 = b_time.reshape(1, D_MODEL)
    b_freq2 = b_freq.reshape(1, D_MODEL)
    b_stat2 = b_stat.reshape(1, D_MODEL)
    b_temp2 = b_temp.reshape(1, D_MODEL)
    b_fhe2 = b_fhe.reshape(1, D_MODEL)
    b_cross2 = b_cross.reshape(1, D_MODEL)

    full = lambda shape: pl.BlockSpec(shape, lambda b: (0,) * len(shape))
    per_b2 = pl.BlockSpec((1, SEQ_LEN, ENC_IN), lambda b: (b, 0, 0))

    inc_flat = pl.kernel(
        _inc_sc_body,
        out_type=jax.ShapeDtypeStruct((_ROWS, _NCOL), f32),
        mesh=plsc.VectorSubcoreMesh(core_axis_name="c", subcore_axis_name="s"),
        scratch_types=[
            pltpu.VMEM((2 * _RPW, 16), f32),
            pltpu.VMEM((_NCOL,), f32),
            pltpu.VMEM((_NCOL,), f32),
            pltpu.SemaphoreType.DMA,
            pltpu.SemaphoreType.DMA,
        ],
    )(mask.reshape(2 * _ROWS, 16))
    incidence = inc_flat.reshape(BS, SEQ_LEN, SEQ_LEN * ENC_IN)

    tn, fn, sn, the, fhe, cross = pl.pallas_call(
        _main_body,
        grid=(BS,),
        in_specs=[
            per_b2, per_b2,
            full((FPAD, SEQ_LEN)), full((FPAD, SEQ_LEN)),
            full((1, D_MODEL)), full((1, D_MODEL)),
            full((2, D_MODEL)), full((1, D_MODEL)),
            full((3, D_MODEL)), full((1, D_MODEL)),
            full((D_MODEL, D_MODEL)), full((1, D_MODEL)),
            full((D_MODEL, D_MODEL)), full((1, D_MODEL)),
            full((D_MODEL, D_MODEL)), full((1, D_MODEL)),
        ],
        out_specs=[
            pl.BlockSpec((1, SEQ_LEN, ENC_IN, D_MODEL), lambda b: (b, 0, 0, 0)),
            pl.BlockSpec((1, N_FREQ_MODES, ENC_IN, D_MODEL),
                         lambda b: (b, 0, 0, 0)),
            pl.BlockSpec((1, 3, ENC_IN, D_MODEL), lambda b: (b, 0, 0, 0)),
            pl.BlockSpec((1, SEQ_LEN, D_MODEL), lambda b: (b, 0, 0)),
            pl.BlockSpec((1, N_FREQ_MODES, D_MODEL), lambda b: (b, 0, 0)),
            pl.BlockSpec((1, 3, D_MODEL), lambda b: (b, 0, 0)),
        ],
        out_shape=[
            jax.ShapeDtypeStruct((BS, SEQ_LEN, ENC_IN, D_MODEL), f32),
            jax.ShapeDtypeStruct((BS, N_FREQ_MODES, ENC_IN, D_MODEL), f32),
            jax.ShapeDtypeStruct((BS, 3, ENC_IN, D_MODEL), f32),
            jax.ShapeDtypeStruct((BS, SEQ_LEN, D_MODEL), f32),
            jax.ShapeDtypeStruct((BS, N_FREQ_MODES, D_MODEL), f32),
            jax.ShapeDtypeStruct((BS, 3, D_MODEL), f32),
        ],
    )(x, mask, cos_m, sin_m, W_time, b_time2, W_freq, b_freq2, W_stat,
      b_stat2, W_temp, b_temp2, W_fhe, b_fhe2, W_cross, b_cross2)

    return (tn, fn, sn, the, fhe, cross, incidence, mask)

# --- scband reference (transcript-rebuilt; emitter-appended) ---
"""Pipeline reference for scband-multi-domain-hypergraph-encoder-29978871726112 (READ-ONLY COPY).

The authoritative reference and input builder live on the scoring server;
editing this copy changes nothing except your own understanding.
"""

import jax, jax.numpy as jnp
import numpy as np

BS = 8
SEQ_LEN = 256
ENC_IN = 32
D_MODEL = 128
N_FREQ_MODES = 32


def _linear_params(key, fan_in, fan_out):
    kw, kb = jax.random.split(key)
    lim = 1.0 / np.sqrt(fan_in)
    W = jax.random.uniform(kw, (fan_in, fan_out), minval=-lim, maxval=lim, dtype=jnp.float32)
    b = jax.random.uniform(kb, (fan_out,), minval=-lim, maxval=lim, dtype=jnp.float32)
    return W, b


def setup_inputs(seed: int = 0) -> dict:
    key = jax.random.key(seed)
    ks = jax.random.split(key, 8)
    x = jax.random.normal(ks[0], (BS, SEQ_LEN, ENC_IN), dtype=jnp.float32)
    mask = (jax.random.uniform(ks[1], (BS, SEQ_LEN, ENC_IN)) < 0.9).astype(jnp.float32)
    W_time, b_time = _linear_params(ks[2], 1, D_MODEL)
    W_freq, b_freq = _linear_params(ks[3], 2, D_MODEL)
    W_stat, b_stat = _linear_params(ks[4], 3, D_MODEL)
    W_temp, b_temp = _linear_params(ks[5], D_MODEL, D_MODEL)
    W_fhe, b_fhe = _linear_params(ks[6], D_MODEL, D_MODEL)
    W_cross, b_cross = _linear_params(ks[7], D_MODEL, D_MODEL)
    return {
        'x': x, 'mask': mask,
        'W_time': W_time, 'b_time': b_time,
        'W_freq': W_freq, 'b_freq': b_freq,
        'W_stat': W_stat, 'b_stat': b_stat,
        'W_temp': W_temp, 'b_temp': b_temp,
        'W_fhe': W_fhe, 'b_fhe': b_fhe,
        'W_cross': W_cross, 'b_cross': b_cross,
    }


def reference(x, mask, W_time, b_time, W_freq, b_freq, W_stat, b_stat,
              W_temp, b_temp, W_fhe, b_fhe, W_cross, b_cross):
    bs, seq_len, enc_in = x.shape
    # time-domain nodes: Linear(1, d_model) on each scalar observation
    time_nodes = jax.nn.relu(jnp.dot(x[..., None], W_time) + b_time)  # [bs, S, C, d]
    # frequency-domain nodes: rfft along time, pick top-k magnitude modes
    x_fft = jnp.fft.rfft(x, axis=1)                    # [bs, F, C] complex
    freq_magnitude = jnp.abs(x_fft)
    mean_mag = freq_magnitude.mean(axis=-1)            # [bs, F]
    _, topk_idx = jax.lax.top_k(mean_mag, N_FREQ_MODES)  # [bs, K]
    sel = jnp.take_along_axis(x_fft, topk_idx[:, :, None], axis=1)  # [bs, K, C]
    freq_features = jnp.stack([sel.real, sel.imag], axis=-1)        # [bs, K, C, 2]
    freq_nodes = jax.nn.relu(jnp.dot(freq_features, W_freq) + b_freq)  # [bs, K, C, d]
    # statistical nodes
    masked_x = x * mask
    n_obs = jnp.maximum(mask.sum(axis=1, keepdims=True), 1.0)          # [bs, 1, C]
    mean_stats = (masked_x.sum(axis=1) / n_obs[:, 0, :])[:, None, :]   # [bs, 1, C]
    var_stats = (((masked_x - mean_stats) ** 2) * mask).sum(axis=1, keepdims=True) / n_obs
    time_indices = jnp.arange(seq_len, dtype=jnp.float32).reshape(1, -1, 1)
    trend_stats = (masked_x * time_indices * mask).sum(axis=1, keepdims=True) / n_obs - mean_stats * time_indices.mean()
    stat_features = jnp.concatenate([mean_stats, var_stats, trend_stats], axis=1)  # [bs, 3, C]
    stat_features_reshaped = jnp.transpose(stat_features, (0, 2, 1))               # [bs, C, 3]
    stat_nodes = jnp.dot(stat_features_reshaped, W_stat) + b_stat                  # [bs, C, d]
    stat_nodes = jnp.repeat(stat_nodes[:, None, :, :], 3, axis=1)                  # [bs, 3, C, d]
    stat_nodes = jax.nn.relu(stat_nodes)
    # hyperedge encoders
    temporal_hyperedges = jnp.dot(time_nodes.mean(axis=2), W_temp) + b_temp        # [bs, S, d]
    frequency_hyperedges = jnp.dot(freq_nodes.mean(axis=2), W_fhe) + b_fhe         # [bs, K, d]
    cross_cat = jnp.concatenate([
        time_nodes.mean(axis=(1, 2)),
        freq_nodes.mean(axis=(1, 2)),
        stat_nodes.mean(axis=(1, 2)),
    ], axis=-1).reshape(bs, 3, -1)
    cross_domain_hyperedges = jnp.dot(cross_cat, W_cross) + b_cross                # [bs, 3, d]
    # incidence matrix: temporal_incidence[b, t, t*C + c] = mask[b, t, c]
    eye = jnp.eye(seq_len, dtype=jnp.float32)
    temporal_incidence = (eye[None, :, :, None] * mask[:, :, None, :]).reshape(bs, seq_len, seq_len * enc_in)
    return (time_nodes, freq_nodes, stat_nodes, temporal_hyperedges,
            frequency_hyperedges, cross_domain_hyperedges, temporal_incidence, mask)

if __name__ == "__main__":
    import jax
    _d = setup_inputs()
    print(jax.jit(kernel)(*tuple(_d.values())))

</pallas_src>

<mosaic_0001>
#map = affine_map<(d0, d1) -> (0, 0)>
module attributes {stable_mosaic.version = 14 : i64} {
  func.func @_inc_sc_body(%arg0: i32, %arg1: i32, %arg2: memref<4096x16xf32, #tpu.memory_space<hbm>>, %arg3: memref<2048x8192xf32, #tpu.memory_space<hbm>>, %arg4: memref<128x16xf32, #tpu.memory_space<vmem>>, %arg5: memref<8192xf32, #tpu.memory_space<vmem>>, %arg6: memref<8192xf32, #tpu.memory_space<vmem>>, %arg7: memref<!tpu.dma_semaphore, #tpu.memory_space<semaphore_mem>>, %arg8: memref<!tpu.dma_semaphore, #tpu.memory_space<semaphore_mem>>) attributes {dimension_semantics = [#tpu.dimension_semantics<core_parallel>, #tpu.dimension_semantics<subcore_parallel>], iteration_bounds = array<i64: 2, 16>, scalar_prefetch = 0 : i64, scratch_operands = 5 : i64, tpu.core_type = #tpu.core_type<sc_vector_subcore>, window_params = [{transform_indices = #map}, {transform_indices = #map}]} {
    %mul3A = arith.constant 2 : i32
    %mul3A_0 = arith.muli %arg1, %mul3A : i32
    %add3A = arith.addi %mul3A_0, %arg0 : i32
    %mul3A_1 = arith.constant 64 : i32
    %mul3A_2 = arith.muli %add3A, %mul3A_1 : i32
    %mul3A_3 = arith.constant 2 : i32
    %mul3A_4 = arith.muli %mul3A_3, %mul3A_2 : i32
    "tpu.region"() ({
      %run_scoped3A = tpu.sem_alloc : memref<!tpu.dma_semaphore, #tpu.memory_space<semaphore_mem>>
      %dma_start3A = arith.constant 0 : i32
      %dma_start3A_39 = tpu.memref_slice %arg2[%mul3A_4, %dma_start3A] : memref<4096x16xf32, #tpu.memory_space<hbm>> -> memref<128x16xf32, #tpu.memory_space<hbm>>
      %dma_start3A_40 = arith.constant 0 : i32
      %dma_start3A_41 = tpu.memref_slice %arg2[%mul3A_4, %dma_start3A_40] : memref<4096x16xf32, #tpu.memory_space<hbm>> -> memref<128x16xf32, #tpu.memory_space<hbm>>
      tpu.enqueue_dma source(%dma_start3A_41 : memref<128x16xf32, #tpu.memory_space<hbm>>) target(%arg4 : memref<128x16xf32, #tpu.memory_space<vmem>>) target_semaphore(%run_scoped3A : memref<!tpu.dma_semaphore, #tpu.memory_space<semaphore_mem>>)
      %dma_wait3A_42 = arith.constant 0 : i32
      %dma_wait3A_43 = tpu.memref_slice %arg2[%mul3A_4, %dma_wait3A_42] : memref<4096x16xf32, #tpu.memory_space<hbm>> -> memref<128x16xf32, #tpu.memory_space<hbm>>
      %dma_wait3A_44 = arith.constant 0 : i32
      %dma_wait3A_45 = tpu.memref_slice %arg2[%mul3A_4, %dma_wait3A_44] : memref<4096x16xf32, #tpu.memory_space<hbm>> -> memref<128x16xf32, #tpu.memory_space<hbm>>
      tpu.wait_dma2 semaphore(%run_scoped3A : memref<!tpu.dma_semaphore, #tpu.memory_space<semaphore_mem>>) src(%dma_wait3A_45 : memref<128x16xf32, #tpu.memory_space<hbm>>) dst(%arg4 : memref<128x16xf32, #tpu.memory_space<vmem>>)
      tpu.yield
    }) : () -> ()
    %broadcast_in_dim3A = arith.constant 0.000000e+00 : f32
    %broadcast_in_dim3A_5 = vector.broadcast %broadcast_in_dim3A : f32 to vector<16xf32>
    %scan3A = arith.constant 0 : i32
    %scan3A_6 = arith.constant 0 : i32
    %scan3A_7 = arith.constant 512 : i32
    %scan3A_8 = arith.addi %scan3A_6, %scan3A_7 : i32
    %scan3A_9 = arith.constant 1 : i32
    scf.for %scan3A_39 = %scan3A_6 to %scan3A_8 step %scan3A_9  : i32 {
      %mul3A_40 = arith.constant 16 : i32
      %mul3A_41 = arith.muli %scan3A_39, %mul3A_40 : i32
      %swap3A = arith.index_cast %mul3A_41 : i32 to index
      %swap3A_42 = tpu.vector_load %arg5[%swap3A] {strides = array<i32>} : memref<8192xf32, #tpu.memory_space<vmem>>, vector<16xf32>,
      %swap3A_43 = vector.shape_cast %swap3A_42 : vector<16xf32> to vector<16xf32>
      %swap3A_44 = vector.shape_cast %broadcast_in_dim3A_5 : vector<16xf32> to vector<16xf32>
      tpu.vector_store %arg5[%swap3A], %swap3A_44 {strides = array<i32>} : memref<8192xf32, #tpu.memory_space<vmem>>, vector<16xf32>,
      %mul3A_45 = arith.constant 16 : i32
      %mul3A_46 = arith.muli %scan3A_39, %mul3A_45 : i32
      %swap3A_47 = arith.index_cast %mul3A_46 : i32 to index
      %swap3A_48 = tpu.vector_load %arg6[%swap3A_47] {strides = array<i32>} : memref<8192xf32, #tpu.memory_space<vmem>>, vector<16xf32>,
      %swap3A_49 = vector.shape_cast %swap3A_48 : vector<16xf32> to vector<16xf32>
      %swap3A_50 = vector.shape_cast %broadcast_in_dim3A_5 : vector<16xf32> to vector<16xf32>
      tpu.vector_store %arg6[%swap3A_47], %swap3A_50 {strides = array<i32>} : memref<8192xf32, #tpu.memory_space<vmem>>, vector<16xf32>,
    }
    %scan3A_10 = arith.constant 512 : i32
    %scan3A_11 = arith.constant 0 : i32
    %scan3A_12 = arith.constant 0 : i32
    %scan3A_13 = arith.constant 32 : i32
    %scan3A_14 = arith.addi %scan3A_12, %scan3A_13 : i32
    %scan3A_15 = arith.constant 1 : i32
    scf.for %scan3A_39 = %scan3A_12 to %scan3A_14 step %scan3A_15  : i32 {
      %mul3A_40 = arith.constant 2 : i32
      %mul3A_41 = arith.muli %mul3A_40, %scan3A_39 : i32
      %add3A_42 = arith.constant 0 : i32
      %add3A_43 = arith.addi %mul3A_41, %add3A_42 : i32
      %add3A_44 = arith.addi %mul3A_2, %add3A_43 : i32
      %rem3A = arith.constant 256 : i32
      %rem3A_45 = arith.remsi %add3A_44, %rem3A : i32
      %mul3A_46 = arith.constant 32 : i32
      %mul3A_47 = arith.muli %rem3A_45, %mul3A_46 : i32
      %gt3A = arith.constant 0 : i32
      %gt3A_48 = arith.cmpi sgt, %scan3A_39, %gt3A : i32
      %convert_element_type3A = arith.extui %gt3A_48 : i1 to i32
      %cond3A = arith.constant 0 : i32
      %cond3A_49 = arith.cmpi ne, %convert_element_type3A, %cond3A : i32
      scf.if %cond3A_49 {
        %sub3A_121 = arith.constant 2 : i32
        %sub3A_122 = arith.subi %add3A_44, %sub3A_121 : i32
        %dma_wait3A_123 = arith.constant 0 : i32
        %dma_wait3A_124 = tpu.memref_slice %arg3[%sub3A_122, %dma_wait3A_123] : memref<2048x8192xf32, #tpu.memory_space<hbm>> -> memref<1x8192xf32, #tpu.memory_space<hbm>>
        %dma_wait3A_125 = tpu.memref_squeeze %dma_wait3A_124 : memref<1x8192xf32, #tpu.memory_space<hbm>> -> memref<8192xf32, #tpu.memory_space<hbm>>
        %dma_wait3A_126 = arith.constant 0 : i32
        %dma_wait3A_127 = tpu.memref_slice %arg3[%sub3A_122, %dma_wait3A_126] : memref<2048x8192xf32, #tpu.memory_space<hbm>> -> memref<1x8192xf32, #tpu.memory_space<hbm>>
        %dma_wait3A_128 = tpu.memref_squeeze %dma_wait3A_127 : memref<1x8192xf32, #tpu.memory_space<hbm>> -> memref<8192xf32, #tpu.memory_space<hbm>>
        tpu.wait_dma2 semaphore(%arg7 : memref<!tpu.dma_semaphore, #tpu.memory_space<semaphore_mem>>) src(%arg5 : memref<8192xf32, #tpu.memory_space<vmem>>) dst(%dma_wait3A_128 : memref<8192xf32, #tpu.memory_space<hbm>>)
        %sub3A_129 = arith.constant 2 : i32
        %sub3A_130 = arith.subi %add3A_44, %sub3A_129 : i32
        %rem3A_131 = arith.constant 256 : i32
        %rem3A_132 = arith.remsi %sub3A_130, %rem3A_131 : i32
        %mul3A_133 = arith.constant 32 : i32
        %mul3A_134 = arith.muli %rem3A_132, %mul3A_133 : i32
        %swap3A_135 = arith.index_cast %mul3A_134 : i32 to index
        %swap3A_136 = tpu.vector_load %arg5[%swap3A_135] {strides = array<i32>} : memref<8192xf32, #tpu.memory_space<vmem>>, vector<16xf32>,
        %swap3A_137 = vector.shape_cast %swap3A_136 : vector<16xf32> to vector<16xf32>
        %swap3A_138 = vector.shape_cast %broadcast_in_dim3A_5 : vector<16xf32> to vector<16xf32>
        tpu.vector_store %arg5[%swap3A_135], %swap3A_138 {strides = array<i32>} : memref<8192xf32, #tpu.memory_space<vmem>>, vector<16xf32>,
        %add3A_139 = arith.constant 16 : i32
        %add3A_140 = arith.addi %mul3A_134, %add3A_139 : i32
        %swap3A_141 = arith.index_cast %add3A_140 : i32 to index
        %swap3A_142 = tpu.vector_load %arg5[%swap3A_141] {strides = array<i32>} : memref<8192xf32, #tpu.memory_space<vmem>>, vector<16xf32>,
        %swap3A_143 = vector.shape_cast %swap3A_142 : vector<16xf32> to vector<16xf32>
        %swap3A_144 = vector.shape_cast %broadcast_in_dim3A_5 : vector<16xf32> to vector<16xf32>
        tpu.vector_store %arg5[%swap3A_141], %swap3A_144 {strides = array<i32>} : memref<8192xf32, #tpu.memory_space<vmem>>, vector<16xf32>,
      } else {
      }
      %mul3A_50 = arith.constant 2 : i32
      %mul3A_51 = arith.muli %mul3A_50, %add3A_43 : i32
      %get3A = arith.index_cast %mul3A_51 : i32 to index
      %get3A_52 = arith.constant 0 : index
      %get3A_53 = tpu.vector_load %arg4[%get3A, %get3A_52] {strides = array<i32>} : memref<128x16xf32, #tpu.memory_space<vmem>>, vector<1x16xf32>,
      %get3A_54 = vector.shape_cast %get3A_53 : vector<1x16xf32> to vector<16xf32>
      %swap3A = arith.index_cast %mul3A_47 : i32 to index
      %swap3A_55 = tpu.vector_load %arg5[%swap3A] {strides = array<i32>} : memref<8192xf32, #tpu.memory_space<vmem>>, vector<16xf32>,
      %swap3A_56 = vector.shape_cast %swap3A_55 : vector<16xf32> to vector<16xf32>
      %swap3A_57 = vector.shape_cast %get3A_54 : vector<16xf32> to vector<16xf32>
      tpu.vector_store %arg5[%swap3A], %swap3A_57 {strides = array<i32>} : memref<8192xf32, #tpu.memory_space<vmem>>, vector<16xf32>,
      %mul3A_58 = arith.constant 2 : i32
      %mul3A_59 = arith.muli %mul3A_58, %add3A_43 : i32
      %add3A_60 = arith.constant 1 : i32
      %add3A_61 = arith.addi %mul3A_59, %add3A_60 : i32
      %get3A_62 = arith.index_cast %add3A_61 : i32 to index
      %get3A_63 = arith.constant 0 : index
      %get3A_64 = tpu.vector_load %arg4[%get3A_62, %get3A_63] {strides = array<i32>} : memref<128x16xf32, #tpu.memory_space<vmem>>, vector<1x16xf32>,
      %get3A_65 = vector.shape_cast %get3A_64 : vector<1x16xf32> to vector<16xf32>
      %add3A_66 = arith.constant 16 : i32
      %add3A_67 = arith.addi %mul3A_47, %add3A_66 : i32
      %swap3A_68 = arith.index_cast %add3A_67 : i32 to index
      %swap3A_69 = tpu.vector_load %arg5[%swap3A_68] {strides = array<i32>} : memref<8192xf32, #tpu.memory_space<vmem>>, vector<16xf32>,
      %swap3A_70 = vector.shape_cast %swap3A_69 : vector<16xf32> to vector<16xf32>
      %swap3A_71 = vector.shape_cast %get3A_65 : vector<16xf32> to vector<16xf32>
      tpu.vector_store %arg5[%swap3A_68], %swap3A_71 {strides = array<i32>} : memref<8192xf32, #tpu.memory_space<vmem>>, vector<16xf32>,
      %dma_start3A = arith.constant 0 : i32
      %dma_start3A_72 = tpu.memref_slice %arg3[%add3A_44, %dma_start3A] : memref<2048x8192xf32, #tpu.memory_space<hbm>> -> memref<1x8192xf32, #tpu.memory_space<hbm>>
      %dma_start3A_73 = tpu.memref_squeeze %dma_start3A_72 : memref<1x8192xf32, #tpu.memory_space<hbm>> -> memref<8192xf32, #tpu.memory_space<hbm>>
      %dma_start3A_74 = arith.constant 0 : i32
      %dma_start3A_75 = tpu.memref_slice %arg3[%add3A_44, %dma_start3A_74] : memref<2048x8192xf32, #tpu.memory_space<hbm>> -> memref<1x8192xf32, #tpu.memory_space<hbm>>
      %dma_start3A_76 = tpu.memref_squeeze %dma_start3A_75 : memref<1x8192xf32, #tpu.memory_space<hbm>> -> memref<8192xf32, #tpu.memory_space<hbm>>
      tpu.enqueue_dma source(%arg5 : memref<8192xf32, #tpu.memory_space<vmem>>) target(%dma_start3A_76 : memref<8192xf32, #tpu.memory_space<hbm>>) target_semaphore(%arg7 : memref<!tpu.dma_semaphore, #tpu.memory_space<semaphore_mem>>)
      %mul3A_77 = arith.constant 2 : i32
      %mul3A_78 = arith.muli %mul3A_77, %scan3A_39 : i32
      %add3A_79 = arith.constant 1 : i32
      %add3A_80 = arith.addi %mul3A_78, %add3A_79 : i32
      %add3A_81 = arith.addi %mul3A_2, %add3A_80 : i32
      %rem3A_82 = arith.constant 256 : i32
      %rem3A_83 = arith.remsi %add3A_81, %rem3A_82 : i32
      %mul3A_84 = arith.constant 32 : i32
      %mul3A_85 = arith.muli %rem3A_83, %mul3A_84 : i32
      %gt3A_86 = arith.constant 0 : i32
      %gt3A_87 = arith.cmpi sgt, %scan3A_39, %gt3A_86 : i32
      %convert_element_type3A_88 = arith.extui %gt3A_87 : i1 to i32
      %cond3A_89 = arith.constant 0 : i32
      %cond3A_90 = arith.cmpi ne, %convert_element_type3A_88, %cond3A_89 : i32
      scf.if %cond3A_90 {
        %sub3A_121 = arith.constant 2 : i32
        %sub3A_122 = arith.subi %add3A_81, %sub3A_121 : i32
        %dma_wait3A_123 = arith.constant 0 : i32
        %dma_wait3A_124 = tpu.memref_slice %arg3[%sub3A_122, %dma_wait3A_123] : memref<2048x8192xf32, #tpu.memory_space<hbm>> -> memref<1x8192xf32, #tpu.memory_space<hbm>>
        %dma_wait3A_125 = tpu.memref_squeeze %dma_wait3A_124 : memref<1x8192xf32, #tpu.memory_space<hbm>> -> memref<8192xf32, #tpu.memory_space<hbm>>
        %dma_wait3A_126 = arith.constant 0 : i32
        %dma_wait3A_127 = tpu.memref_slice %arg3[%sub3A_122, %dma_wait3A_126] : memref<2048x8192xf32, #tpu.memory_space<hbm>> -> memref<1x8192xf32, #tpu.memory_space<hbm>>
        %dma_wait3A_128 = tpu.memref_squeeze %dma_wait3A_127 : memref<1x8192xf32, #tpu.memory_space<hbm>> -> memref<8192xf32, #tpu.memory_space<hbm>>
        tpu.wait_dma2 semaphore(%arg8 : memref<!tpu.dma_semaphore, #tpu.memory_space<semaphore_mem>>) src(%arg6 : memref<8192xf32, #tpu.memory_space<vmem>>) dst(%dma_wait3A_128 : memref<8192xf32, #tpu.memory_space<hbm>>)
        %sub3A_129 = arith.constant 2 : i32
        %sub3A_130 = arith.subi %add3A_81, %sub3A_129 : i32
        %rem3A_131 = arith.constant 256 : i32
        %rem3A_132 = arith.remsi %sub3A_130, %rem3A_131 : i32
        %mul3A_133 = arith.constant 32 : i32
        %mul3A_134 = arith.muli %rem3A_132, %mul3A_133 : i32
        %swap3A_135 = arith.index_cast %mul3A_134 : i32 to index
        %swap3A_136 = tpu.vector_load %arg6[%swap3A_135] {strides = array<i32>} : memref<8192xf32, #tpu.memory_space<vmem>>, vector<16xf32>,
        %swap3A_137 = vector.shape_cast %swap3A_136 : vector<16xf32> to vector<16xf32>
        %swap3A_138 = vector.shape_cast %broadcast_in_dim3A_5 : vector<16xf32> to vector<16xf32>
        tpu.vector_store %arg6[%swap3A_135], %swap3A_138 {strides = array<i32>} : memref<8192xf32, #tpu.memory_space<vmem>>, vector<16xf32>,
        %add3A_139 = arith.constant 16 : i32
        %add3A_140 = arith.addi %mul3A_134, %add3A_139 : i32
        %swap3A_141 = arith.index_cast %add3A_140 : i32 to index
        %swap3A_142 = tpu.vector_load %arg6[%swap3A_141] {strides = array<i32>} : memref<8192xf32, #tpu.memory_space<vmem>>, vector<16xf32>,
        %swap3A_143 = vector.shape_cast %swap3A_142 : vector<16xf32> to vector<16xf32>
        %swap3A_144 = vector.shape_cast %broadcast_in_dim3A_5 : vector<16xf32> to vector<16xf32>
        tpu.vector_store %arg6[%swap3A_141], %swap3A_144 {strides = array<i32>} : memref<8192xf32, #tpu.memory_space<vmem>>, vector<16xf32>,
      } else {
      }
      %mul3A_91 = arith.constant 2 : i32
      %mul3A_92 = arith.muli %mul3A_91, %add3A_80 : i32
      %get3A_93 = arith.index_cast %mul3A_92 : i32 to index
      %get3A_94 = arith.constant 0 : index
      %get3A_95 = tpu.vector_load %arg4[%get3A_93, %get3A_94] {strides = array<i32>} : memref<128x16xf32, #tpu.memory_space<vmem>>, vector<1x16xf32>,
      %get3A_96 = vector.shape_cast %get3A_95 : vector<1x16xf32> to vector<16xf32>
      %swap3A_97 = arith.index_cast %mul3A_85 : i32 to index
      %swap3A_98 = tpu.vector_load %arg6[%swap3A_97] {strides = array<i32>} : memref<8192xf32, #tpu.memory_space<vmem>>, vector<16xf32>,
      %swap3A_99 = vector.shape_cast %swap3A_98 : vector<16xf32> to vector<16xf32>
      %swap3A_100 = vector.shape_cast %get3A_96 : vector<16xf32> to vector<16xf32>
      tpu.vector_store %arg6[%swap3A_97], %swap3A_100 {strides = array<i32>} : memref<8192xf32, #tpu.memory_space<vmem>>, vector<16xf32>,
      %mul3A_101 = arith.constant 2 : i32
      %mul3A_102 = arith.muli %mul3A_101, %add3A_80 : i32
      %add3A_103 = arith.constant 1 : i32
      %add3A_104 = arith.addi %mul3A_102, %add3A_103 : i32
      %get3A_105 = arith.index_cast %add3A_104 : i32 to index
      %get3A_106 = arith.constant 0 : index
      %get3A_107 = tpu.vector_load %arg4[%get3A_105, %get3A_106] {strides = array<i32>} : memref<128x16xf32, #tpu.memory_space<vmem>>, vector<1x16xf32>,
      %get3A_108 = vector.shape_cast %get3A_107 : vector<1x16xf32> to vector<16xf32>
      %add3A_109 = arith.constant 16 : i32
      %add3A_110 = arith.addi %mul3A_85, %add3A_109 : i32
      %swap3A_111 = arith.index_cast %add3A_110 : i32 to index
      %swap3A_112 = tpu.vector_load %arg6[%swap3A_111] {strides = array<i32>} : memref<8192xf32, #tpu.memory_space<vmem>>, vector<16xf32>,
      %swap3A_113 = vector.shape_cast %swap3A_112 : vector<16xf32> to vector<16xf32>
      %swap3A_114 = vector.shape_cast %get3A_108 : vector<16xf32> to vector<16xf32>
      tpu.vector_store %arg6[%swap3A_111], %swap3A_114 {strides = array<i32>} : memref<8192xf32, #tpu.memory_space<vmem>>, vector<16xf32>,
      %dma_start3A_115 = arith.constant 0 : i32
      %dma_start3A_116 = tpu.memref_slice %arg3[%add3A_81, %dma_start3A_115] : memref<2048x8192xf32, #tpu.memory_space<hbm>> -> memref<1x8192xf32, #tpu.memory_space<hbm>>
      %dma_start3A_117 = tpu.memref_squeeze %dma_start3A_116 : memref<1x8192xf32, #tpu.memory_space<hbm>> -> memref<8192xf32, #tpu.memory_space<hbm>>
      %dma_start3A_118 = arith.constant 0 : i32
      %dma_start3A_119 = tpu.memref_slice %arg3[%add3A_81, %dma_start3A_118] : memref<2048x8192xf32, #tpu.memory_space<hbm>> -> memref<1x8192xf32, #tpu.memory_space<hbm>>
      %dma_start3A_120 = tpu.memref_squeeze %dma_start3A_119 : memref<1x8192xf32, #tpu.memory_space<hbm>> -> memref<8192xf32, #tpu.memory_space<hbm>>
      tpu.enqueue_dma source(%arg6 : memref<8192xf32, #tpu.memory_space<vmem>>) target(%dma_start3A_120 : memref<8192xf32, #tpu.memory_space<hbm>>) target_semaphore(%arg8 : memref<!tpu.dma_semaphore, #tpu.memory_space<semaphore_mem>>)
    }
    %scan3A_16 = arith.constant 32 : i32
    %add3A_17 = arith.constant 64 : i32
    %add3A_18 = arith.addi %mul3A_2, %add3A_17 : i32
    %sub3A = arith.constant 2 : i32
    %sub3A_19 = arith.subi %add3A_18, %sub3A : i32
    %add3A_20 = arith.constant 0 : i32
    %add3A_21 = arith.addi %sub3A_19, %add3A_20 : i32
    %dma_wait3A = arith.constant 0 : i32
    %dma_wait3A_22 = tpu.memref_slice %arg3[%add3A_21, %dma_wait3A] : memref<2048x8192xf32, #tpu.memory_space<hbm>> -> memref<1x8192xf32, #tpu.memory_space<hbm>>
    %dma_wait3A_23 = tpu.memref_squeeze %dma_wait3A_22 : memref<1x8192xf32, #tpu.memory_space<hbm>> -> memref<8192xf32, #tpu.memory_space<hbm>>
    %dma_wait3A_24 = arith.constant 0 : i32
    %dma_wait3A_25 = tpu.memref_slice %arg3[%add3A_21, %dma_wait3A_24] : memref<2048x8192xf32, #tpu.memory_space<hbm>> -> memref<1x8192xf32, #tpu.memory_space<hbm>>
    %dma_wait3A_26 = tpu.memref_squeeze %dma_wait3A_25 : memref<1x8192xf32, #tpu.memory_space<hbm>> -> memref<8192xf32, #tpu.memory_space<hbm>>
    tpu.wait_dma2 semaphore(%arg7 : memref<!tpu.dma_semaphore, #tpu.memory_space<semaphore_mem>>) src(%arg5 : memref<8192xf32, #tpu.memory_space<vmem>>) dst(%dma_wait3A_26 : memref<8192xf32, #tpu.memory_space<hbm>>)
    %add3A_27 = arith.constant 64 : i32
    %add3A_28 = arith.addi %mul3A_2, %add3A_27 : i32
    %sub3A_29 = arith.constant 2 : i32
    %sub3A_30 = arith.subi %add3A_28, %sub3A_29 : i32
    %add3A_31 = arith.constant 1 : i32
    %add3A_32 = arith.addi %sub3A_30, %add3A_31 : i32
    %dma_wait3A_33 = arith.constant 0 : i32
    %dma_wait3A_34 = tpu.memref_slice %arg3[%add3A_32, %dma_wait3A_33] : memref<2048x8192xf32, #tpu.memory_space<hbm>> -> memref<1x8192xf32, #tpu.memory_space<hbm>>
    %dma_wait3A_35 = tpu.memref_squeeze %dma_wait3A_34 : memref<1x8192xf32, #tpu.memory_space<hbm>> -> memref<8192xf32, #tpu.memory_space<hbm>>
    %dma_wait3A_36 = arith.constant 0 : i32
    %dma_wait3A_37 = tpu.memref_slice %arg3[%add3A_32, %dma_wait3A_36] : memref<2048x8192xf32, #tpu.memory_space<hbm>> -> memref<1x8192xf32, #tpu.memory_space<hbm>>
    %dma_wait3A_38 = tpu.memref_squeeze %dma_wait3A_37 : memref<1x8192xf32, #tpu.memory_space<hbm>> -> memref<8192xf32, #tpu.memory_space<hbm>>
    tpu.wait_dma2 semaphore(%arg8 : memref<!tpu.dma_semaphore, #tpu.memory_space<semaphore_mem>>) src(%arg6 : memref<8192xf32, #tpu.memory_space<vmem>>) dst(%dma_wait3A_38 : memref<8192xf32, #tpu.memory_space<hbm>>)
    return
  }
}

module attributes {stable_mosaic.version = 14 : i64} {
  func.func @_main_body(%arg0: i32, %arg1: memref<1x256x32xf32, #tpu.memory_space<vmem>>, %arg2: memref<1x256x32xf32, #tpu.memory_space<vmem>>, %arg3: memref<256x256xf32, #tpu.memory_space<vmem>>, %arg4: memref<256x256xf32, #tpu.memory_space<vmem>>, %arg5: memref<1x128xf32, #tpu.memory_space<vmem>>, %arg6: memref<1x128xf32, #tpu.memory_space<vmem>>, %arg7: memref<2x128xf32, #tpu.memory_space<vmem>>, %arg8: memref<1x128xf32, #tpu.memory_space<vmem>>, %arg9: memref<3x128xf32, #tpu.memory_space<vmem>>, %arg10: memref<1x128xf32, #tpu.memory_space<vmem>>, %arg11: memref<128x128xf32, #tpu.memory_space<vmem>>, %arg12: memref<1x128xf32, #tpu.memory_space<vmem>>, %arg13: memref<128x128xf32, #tpu.memory_space<vmem>>, %arg14: memref<1x128xf32, #tpu.memory_space<vmem>>, %arg15: memref<128x128xf32, #tpu.memory_space<vmem>>, %arg16: memref<1x128xf32, #tpu.memory_space<vmem>>, %arg17: memref<1x256x32x128xf32, #tpu.memory_space<vmem>>, %arg18: memref<1x32x32x128xf32, #tpu.memory_space<vmem>>, %arg19: memref<1x3x32x128xf32, #tpu.memory_space<vmem>>, %arg20: memref<1x256x128xf32, #tpu.memory_space<vmem>>, %arg21: memref<1x32x128xf32, #tpu.memory_space<vmem>>, %arg22: memref<1x3x128xf32, #tpu.memory_space<vmem>>) attributes {dimension_semantics = [#tpu.dimension_semantics<arbitrary>], iteration_bounds = array<i64: 8>, scalar_prefetch = 0 : i64, scratch_operands = 0 : i64, tpu.core_type = #tpu.core_type<tc>, window_params = [{transform_indices = @transform_0, window_bounds = array<i64: 1, 256, 32>}, {transform_indices = @transform_1, window_bounds = array<i64: 1, 256, 32>}, {pipeline_mode = #tpu.pipeline_mode<synchronous>, transform_indices = @transform_2, window_bounds = array<i64: 256, 256>}, {pipeline_mode = #tpu.pipeline_mode<synchronous>, transform_indices = @transform_3, window_bounds = array<i64: 256, 256>}, {pipeline_mode = #tpu.pipeline_mode<synchronous>, transform_indices = @transform_4, window_bounds = array<i64: 1, 128>}, {pipeline_mode = #tpu.pipeline_mode<synchronous>, transform_indices = @transform_5, window_bounds = array<i64: 1, 128>}, {pipeline_mode = #tpu.pipeline_mode<synchronous>, transform_indices = @transform_6, window_bounds = array<i64: 2, 128>}, {pipeline_mode = #tpu.pipeline_mode<synchronous>, transform_indices = @transform_7, window_bounds = array<i64: 1, 128>}, {pipeline_mode = #tpu.pipeline_mode<synchronous>, transform_indices = @transform_8, window_bounds = array<i64: 3, 128>}, {pipeline_mode = #tpu.pipeline_mode<synchronous>, transform_indices = @transform_9, window_bounds = array<i64: 1, 128>}, {pipeline_mode = #tpu.pipeline_mode<synchronous>, transform_indices = @transform_10, window_bounds = array<i64: 128, 128>}, {pipeline_mode = #tpu.pipeline_mode<synchronous>, transform_indices = @transform_11, window_bounds = array<i64: 1, 128>}, {pipeline_mode = #tpu.pipeline_mode<synchronous>, transform_indices = @transform_12, window_bounds = array<i64: 128, 128>}, {pipeline_mode = #tpu.pipeline_mode<synchronous>, transform_indices = @transform_13, window_bounds = array<i64: 1, 128>}, {pipeline_mode = #tpu.pipeline_mode<synchronous>, transform_indices = @transform_14, window_bounds = array<i64: 128, 128>}, {pipeline_mode = #tpu.pipeline_mode<synchronous>, transform_indices = @transform_15, window_bounds = array<i64: 1, 128>}, {transform_indices = @transform_16, window_bounds = array<i64: 1, 256, 32, 128>}, {transform_indices = @transform_17, window_bounds = array<i64: 1, 32, 32, 128>}, {transform_indices = @transform_18, window_bounds = array<i64: 1, 3, 32, 128>}, {transform_indices = @transform_19, window_bounds = array<i64: 1, 256, 128>}, {transform_indices = @transform_20, window_bounds = array<i64: 1, 32, 128>}, {transform_indices = @transform_21, window_bounds = array<i64: 1, 3, 128>}]} {
    %get3A = arith.constant 0 : index
    %get3A_0 = arith.constant 0 : index
    %get3A_1 = arith.constant 0 : index
    %get3A_2 = vector.load %arg1[%get3A, %get3A_0, %get3A_1] : memref<1x256x32xf32, #tpu.memory_space<vmem>>, vector<1x256x32xf32>
    %get3A_3 = vector.shape_cast %get3A_2 : vector<1x256x32xf32> to vector<256x32xf32>
    %get3A_4 = arith.constant 0 : index
    %get3A_5 = arith.constant 0 : index
    %get3A_6 = arith.constant 0 : index
    %get3A_7 = vector.load %arg2[%get3A_4, %get3A_5, %get3A_6] : memref<1x256x32xf32, #tpu.memory_space<vmem>>, vector<1x256x32xf32>
    %get3A_8 = vector.shape_cast %get3A_7 : vector<1x256x32xf32> to vector<256x32xf32>
    %get3A_9 = arith.constant 0 : index
    %get3A_10 = arith.constant 0 : index
    %get3A_11 = vector.load %arg5[%get3A_9, %get3A_10] : memref<1x128xf32, #tpu.memory_space<vmem>>, vector<1x128xf32>
    %reshape3A = vector.shape_cast %get3A_11 : vector<1x128xf32> to vector<1x1x128xf32>
    %get3A_12 = arith.constant 0 : index
    %get3A_13 = arith.constant 0 : index
    %get3A_14 = vector.load %arg6[%get3A_12, %get3A_13] : memref<1x128xf32, #tpu.memory_space<vmem>>, vector<1x128xf32>
    %reshape3A_15 = vector.shape_cast %get3A_14 : vector<1x128xf32> to vector<1x1x128xf32>
    %broadcast_in_dim3A = vector.shape_cast %get3A_3 : vector<256x32xf32> to vector<256x32x1xf32>
    %mul3A = vector.broadcast %broadcast_in_dim3A : vector<256x32x1xf32> to vector<256x32x128xf32>
    %mul3A_16 = vector.broadcast %reshape3A : vector<1x1x128xf32> to vector<256x32x128xf32>
    %mul3A_17 = arith.mulf %mul3A, %mul3A_16 : vector<256x32x128xf32>
    %add3A = vector.broadcast %reshape3A_15 : vector<1x1x128xf32> to vector<256x32x128xf32>
    %add3A_18 = arith.addf %mul3A_17, %add3A : vector<256x32x128xf32>
    %max3A = arith.constant 0.000000e+00 : f32
    %max3A_19 = vector.broadcast %max3A : f32 to vector<256x32x128xf32>
    %max3A_20 = arith.maximumf %add3A_18, %max3A_19 : vector<256x32x128xf32>
    %swap3A = arith.constant 0 : index
    %swap3A_21 = arith.constant 0 : index
    %swap3A_22 = arith.constant 0 : index
    %swap3A_23 = arith.constant 0 : index
    %swap3A_24 = vector.load %arg17[%swap3A, %swap3A_21, %swap3A_22, %swap3A_23] : memref<1x256x32x128xf32, #tpu.memory_space<vmem>>, vector<1x256x32x128xf32>
    %swap3A_25 = vector.shape_cast %swap3A_24 : vector<1x256x32x128xf32> to vector<256x32x128xf32>
    %swap3A_26 = vector.shape_cast %max3A_20 : vector<256x32x128xf32> to vector<1x256x32x128xf32>
    tpu.vector_store %arg17[%swap3A, %swap3A_21, %swap3A_22, %swap3A_23], %swap3A_26 {strides = array<i32>} : memref<1x256x32x128xf32, #tpu.memory_space<vmem>>, vector<1x256x32x128xf32>,
    %reduce_sum3A = arith.constant dense<0.000000e+00> : vector<256x128xf32>
    %reduce_sum3A_27 = vector.multi_reduction <add>, %max3A_20, %reduce_sum3A [1] : vector<256x32x128xf32> to vector<256x128xf32>
    %div3A = arith.constant 3.200000e+01 : f32
    %div3A_28 = vector.broadcast %div3A : f32 to vector<256x128xf32>
    %div3A_29 = arith.divf %reduce_sum3A_27, %div3A_28 : vector<256x128xf32>
    %get3A_30 = arith.constant 0 : index
    %get3A_31 = arith.constant 0 : index
    %get3A_32 = vector.load %arg11[%get3A_30, %get3A_31] : memref<128x128xf32, #tpu.memory_space<vmem>>, vector<128x128xf32>
    %dot_general3A = arith.constant dense<0.000000e+00> : vector<256x128xf32>
    %dot_general3A_33 = tpu.matmul %div3A_29, %get3A_32, %dot_general3A {dimension_numbers = #tpu.dot_dimension_numbers<[1], [0], [0], [1], [0, 0, 1, 1], [], []>, precision = #tpu.contract_precision<fp32>, transpose_lhs_hint = false} : vector<256x128xf32>, vector<128x128xf32>, vector<256x128xf32> -> vector<256x128xf32>
    %get3A_34 = arith.constant 0 : index
    %get3A_35 = arith.constant 0 : index
    %get3A_36 = vector.load %arg12[%get3A_34, %get3A_35] : memref<1x128xf32, #tpu.memory_space<vmem>>, vector<1x128xf32>
    %add3A_37 = vector.broadcast %get3A_36 : vector<1x128xf32> to vector<256x128xf32>
    %add3A_38 = arith.addf %dot_general3A_33, %add3A_37 : vector<256x128xf32>
    %swap3A_39 = arith.constant 0 : index
    %swap3A_40 = arith.constant 0 : index
    %swap3A_41 = arith.constant 0 : index
    %swap3A_42 = vector.load %arg20[%swap3A_39, %swap3A_40, %swap3A_41] : memref<1x256x128xf32, #tpu.memory_space<vmem>>, vector<1x256x128xf32>
    %swap3A_43 = vector.shape_cast %swap3A_42 : vector<1x256x128xf32> to vector<256x128xf32>
    %swap3A_44 = vector.shape_cast %add3A_38 : vector<256x128xf32> to vector<1x256x128xf32>
    tpu.vector_store %arg20[%swap3A_39, %swap3A_40, %swap3A_41], %swap3A_44 {strides = array<i32>} : memref<1x256x128xf32, #tpu.memory_space<vmem>>, vector<1x256x128xf32>,
    %reduce_sum3A_45 = arith.constant dense<0.000000e+00> : vector<128xf32>
    %reduce_sum3A_46 = vector.multi_reduction <add>, %div3A_29, %reduce_sum3A_45 [0] : vector<256x128xf32> to vector<128xf32>
    %broadcast_in_dim3A_47 = vector.shape_cast %reduce_sum3A_46 : vector<128xf32> to vector<1x128xf32>
    %div3A_48 = arith.constant 2.560000e+02 : f32
    %div3A_49 = vector.broadcast %div3A_48 : f32 to vector<1x128xf32>
    %div3A_50 = arith.divf %broadcast_in_dim3A_47, %div3A_49 : vector<1x128xf32>
    %get3A_51 = arith.constant 0 : index
    %get3A_52 = arith.constant 0 : index
    %get3A_53 = vector.load %arg3[%get3A_51, %get3A_52] : memref<256x256xf32, #tpu.memory_space<vmem>>, vector<256x256xf32>
    %dot_general3A_54 = arith.constant dense<0.000000e+00> : vector<256x32xf32>
    %dot_general3A_55 = tpu.matmul %get3A_53, %get3A_3, %dot_general3A_54 {dimension_numbers = #tpu.dot_dimension_numbers<[1], [0], [0], [1], [0, 0, 1, 1], [], []>, precision = #tpu.contract_precision<fp32>, transpose_lhs_hint = false} : vector<256x256xf32>, vector<256x32xf32>, vector<256x32xf32> -> vector<256x32xf32>
    %get3A_56 = arith.constant 0 : index
    %get3A_57 = arith.constant 0 : index
    %get3A_58 = vector.load %arg4[%get3A_56, %get3A_57] : memref<256x256xf32, #tpu.memory_space<vmem>>, vector<256x256xf32>
    %dot_general3A_59 = arith.constant dense<0.000000e+00> : vector<256x32xf32>
    %dot_general3A_60 = tpu.matmul %get3A_58, %get3A_3, %dot_general3A_59 {dimension_numbers = #tpu.dot_dimension_numbers<[1], [0], [0], [1], [0, 0, 1, 1], [], []>, precision = #tpu.contract_precision<fp32>, transpose_lhs_hint = false} : vector<256x256xf32>, vector<256x32xf32>, vector<256x32xf32> -> vector<256x32xf32>
    %neg3A = arith.constant 0.000000e+00 : f32
    %neg3A_61 = vector.broadcast %neg3A : f32 to vector<256x32xf32>
    %neg3A_62 = arith.subf %neg3A_61, %dot_general3A_60 : vector<256x32xf32>
    %mul3A_63 = arith.mulf %dot_general3A_55, %dot_general3A_55 : vector<256x32xf32>
    %mul3A_64 = arith.mulf %neg3A_62, %neg3A_62 : vector<256x32xf32>
    %add3A_65 = arith.addf %mul3A_63, %mul3A_64 : vector<256x32xf32>
    %sqrt3A = math.sqrt %add3A_65 : vector<256x32xf32>
    %reduce_sum3A_66 = arith.constant dense<0.000000e+00> : vector<256xf32>
    %reduce_sum3A_67 = vector.multi_reduction <add>, %sqrt3A, %reduce_sum3A_66 [1] : vector<256x32xf32> to vector<256xf32>
    %broadcast_in_dim3A_68 = vector.shape_cast %reduce_sum3A_67 : vector<256xf32> to vector<256x1xf32>
    %div3A_69 = arith.constant 3.200000e+01 : f32
    %div3A_70 = vector.broadcast %div3A_69 : f32 to vector<256x1xf32>
    %div3A_71 = arith.divf %broadcast_in_dim3A_68, %div3A_70 : vector<256x1xf32>
    %iota3A = tpu.iota {dimensions = array<i32: 0>} : vector<256x1xi32>
    %lt3A = arith.constant 129 : i32
    %lt3A_72 = vector.broadcast %lt3A : i32 to vector<256x1xi32>
    %lt3A_73 = arith.cmpi slt, %iota3A, %lt3A_72 : vector<256x1xi32>
    %jit3A = arith.constant -1.000000e+00 : f32
    %broadcast_in_dim3A_74 = vector.broadcast %jit3A : f32 to vector<256x1xf32>
    %select_n3A = arith.select %lt3A_73, %div3A_71, %broadcast_in_dim3A_74 : vector<256x1xi1>, vector<256x1xf32>
    %iota3A_75 = tpu.iota {dimensions = array<i32: 0>} : vector<256x256xi32>
    %iota3A_76 = tpu.iota {dimensions = array<i32: 1>} : vector<256x256xi32>
    %eq3A = arith.cmpi eq, %iota3A_75, %iota3A_76 : vector<256x256xi32>
    %convert_element_type3A = arith.extui %eq3A : vector<256x256xi1> to vector<256x256xi32>
    %convert_element_type3A_77 = arith.sitofp %convert_element_type3A : vector<256x256xi32> to vector<256x256xf32>
    %broadcast_in_dim3A_78 = arith.constant 1.000000e+00 : f32
    %broadcast_in_dim3A_79 = vector.broadcast %broadcast_in_dim3A_78 : f32 to vector<1x256xf32>
    %mul3A_80 = vector.broadcast %select_n3A : vector<256x1xf32> to vector<256x256xf32>
    %mul3A_81 = arith.mulf %convert_element_type3A_77, %mul3A_80 : vector<256x256xf32>
    %dot_general3A_82 = arith.constant dense<0.000000e+00> : vector<1x256xf32>
    %dot_general3A_83 = tpu.matmul %broadcast_in_dim3A_79, %mul3A_81, %dot_general3A_82 {dimension_numbers = #tpu.dot_dimension_numbers<[1], [0], [0], [1], [0, 0, 1, 1], [], []>, precision = #tpu.contract_precision<fp32>, transpose_lhs_hint = false} : vector<1x256xf32>, vector<256x256xf32>, vector<1x256xf32> -> vector<1x256xf32>
    %iota3A_84 = tpu.iota {dimensions = array<i32: 1>} : vector<256x256xi32>
    %iota3A_85 = tpu.iota {dimensions = array<i32: 0>} : vector<256x256xi32>
    %gt3A = vector.broadcast %dot_general3A_83 : vector<1x256xf32> to vector<256x256xf32>
    %gt3A_86 = vector.broadcast %select_n3A : vector<256x1xf32> to vector<256x256xf32>
    %gt3A_87 = arith.cmpf ogt, %gt3A, %gt3A_86 : vector<256x256xf32>
    %eq3A_88 = vector.broadcast %dot_general3A_83 : vector<1x256xf32> to vector<256x256xf32>
    %eq3A_89 = vector.broadcast %select_n3A : vector<256x1xf32> to vector<256x256xf32>
    %eq3A_90 = arith.cmpf oeq, %eq3A_88, %eq3A_89 : vector<256x256xf32>
    %lt3A_91 = arith.cmpi slt, %iota3A_84, %iota3A_85 : vector<256x256xi32>
    %and3A = arith.andi %eq3A_90, %lt3A_91 : vector<256x256xi1>
    %or3A = arith.ori %gt3A_87, %and3A : vector<256x256xi1>
    %convert_element_type3A_92 = arith.extui %or3A : vector<256x256xi1> to vector<256x256xi32>
    %convert_element_type3A_93 = arith.sitofp %convert_element_type3A_92 : vector<256x256xi32> to vector<256x256xf32>
    %reduce_sum3A_94 = arith.constant dense<0.000000e+00> : vector<256xf32>
    %reduce_sum3A_95 = vector.multi_reduction <add>, %convert_element_type3A_93, %reduce_sum3A_94 [1] : vector<256x256xf32> to vector<256xf32>
    %broadcast_in_dim3A_96 = vector.shape_cast %reduce_sum3A_95 : vector<256xf32> to vector<256x1xf32>
    %mul3A_97 = vector.broadcast %broadcast_in_dim3A_96 : vector<256x1xf32> to vector<256x256xf32>
    %mul3A_98 = arith.mulf %convert_element_type3A_77, %mul3A_97 : vector<256x256xf32>
    %dot_general3A_99 = arith.constant dense<0.000000e+00> : vector<1x256xf32>
    %dot_general3A_100 = tpu.matmul %broadcast_in_dim3A_79, %mul3A_98, %dot_general3A_99 {dimension_numbers = #tpu.dot_dimension_numbers<[1], [0], [0], [1], [0, 0, 1, 1], [], []>, precision = #tpu.contract_precision<fp32>, transpose_lhs_hint = false} : vector<1x256xf32>, vector<256x256xf32>, vector<1x256xf32> -> vector<1x256xf32>
    %iota3A_101 = tpu.iota {dimensions = array<i32: 0>} : vector<32x256xi32>
    %convert_element_type3A_102 = arith.fptosi %dot_general3A_100 : vector<1x256xf32> to vector<1x256xi32>
    %eq3A_103 = vector.broadcast %convert_element_type3A_102 : vector<1x256xi32> to vector<32x256xi32>
    %eq3A_104 = arith.cmpi eq, %eq3A_103, %iota3A_101 : vector<32x256xi32>
    %convert_element_type3A_105 = arith.extui %eq3A_104 : vector<32x256xi1> to vector<32x256xi32>
    %convert_element_type3A_106 = arith.sitofp %convert_element_type3A_105 : vector<32x256xi32> to vector<32x256xf32>
    %dot_general3A_107 = arith.constant dense<0.000000e+00> : vector<32x32xf32>
    %dot_general3A_108 = tpu.matmul %convert_element_type3A_106, %dot_general3A_55, %dot_general3A_107 {dimension_numbers = #tpu.dot_dimension_numbers<[1], [0], [0], [1], [0, 0, 1, 1], [], []>, precision = #tpu.contract_precision<fp32>, transpose_lhs_hint = false} : vector<32x256xf32>, vector<256x32xf32>, vector<32x32xf32> -> vector<32x32xf32>
    %dot_general3A_109 = arith.constant dense<0.000000e+00> : vector<32x32xf32>
    %dot_general3A_110 = tpu.matmul %convert_element_type3A_106, %neg3A_62, %dot_general3A_109 {dimension_numbers = #tpu.dot_dimension_numbers<[1], [0], [0], [1], [0, 0, 1, 1], [], []>, precision = #tpu.contract_precision<fp32>, transpose_lhs_hint = false} : vector<32x256xf32>, vector<256x32xf32>, vector<32x32xf32> -> vector<32x32xf32>
    %get3A_111 = arith.constant 0 : index
    %get3A_112 = arith.constant 0 : index
    %get3A_113 = vector.load %arg7[%get3A_111, %get3A_112] : memref<2x128xf32, #tpu.memory_space<vmem>>, vector<2x128xf32>
    %slice3A = vector.extract_strided_slice %get3A_113 {offsets = [0, 0], sizes = [1, 128], strides = [1, 1]} : vector<2x128xf32> to vector<1x128xf32>
    %reshape3A_114 = vector.shape_cast %slice3A : vector<1x128xf32> to vector<1x1x128xf32>
    %slice3A_115 = vector.extract_strided_slice %get3A_113 {offsets = [1, 0], sizes = [1, 128], strides = [1, 1]} : vector<2x128xf32> to vector<1x128xf32>
    %reshape3A_116 = vector.shape_cast %slice3A_115 : vector<1x128xf32> to vector<1x1x128xf32>
    %get3A_117 = arith.constant 0 : index
    %get3A_118 = arith.constant 0 : index
    %get3A_119 = vector.load %arg8[%get3A_117, %get3A_118] : memref<1x128xf32, #tpu.memory_space<vmem>>, vector<1x128xf32>
    %reshape3A_120 = vector.shape_cast %get3A_119 : vector<1x128xf32> to vector<1x1x128xf32>
    %broadcast_in_dim3A_121 = vector.shape_cast %dot_general3A_108 : vector<32x32xf32> to vector<32x32x1xf32>
    %mul3A_122 = vector.broadcast %broadcast_in_dim3A_121 : vector<32x32x1xf32> to vector<32x32x128xf32>
    %mul3A_123 = vector.broadcast %reshape3A_114 : vector<1x1x128xf32> to vector<32x32x128xf32>
    %mul3A_124 = arith.mulf %mul3A_122, %mul3A_123 : vector<32x32x128xf32>
    %broadcast_in_dim3A_125 = vector.shape_cast %dot_general3A_110 : vector<32x32xf32> to vector<32x32x1xf32>
    %mul3A_126 = vector.broadcast %broadcast_in_dim3A_125 : vector<32x32x1xf32> to vector<32x32x128xf32>
    %mul3A_127 = vector.broadcast %reshape3A_116 : vector<1x1x128xf32> to vector<32x32x128xf32>
    %mul3A_128 = arith.mulf %mul3A_126, %mul3A_127 : vector<32x32x128xf32>
    %add3A_129 = arith.addf %mul3A_124, %mul3A_128 : vector<32x32x128xf32>
    %add3A_130 = vector.broadcast %reshape3A_120 : vector<1x1x128xf32> to vector<32x32x128xf32>
    %add3A_131 = arith.addf %add3A_129, %add3A_130 : vector<32x32x128xf32>
    %max3A_132 = arith.constant 0.000000e+00 : f32
    %max3A_133 = vector.broadcast %max3A_132 : f32 to vector<32x32x128xf32>
    %max3A_134 = arith.maximumf %add3A_131, %max3A_133 : vector<32x32x128xf32>
    %swap3A_135 = arith.constant 0 : index
    %swap3A_136 = arith.constant 0 : index
    %swap3A_137 = arith.constant 0 : index
    %swap3A_138 = arith.constant 0 : index
    %swap3A_139 = vector.load %arg18[%swap3A_135, %swap3A_136, %swap3A_137, %swap3A_138] : memref<1x32x32x128xf32, #tpu.memory_space<vmem>>, vector<1x32x32x128xf32>
    %swap3A_140 = vector.shape_cast %swap3A_139 : vector<1x32x32x128xf32> to vector<32x32x128xf32>
    %swap3A_141 = vector.shape_cast %max3A_134 : vector<32x32x128xf32> to vector<1x32x32x128xf32>
    tpu.vector_store %arg18[%swap3A_135, %swap3A_136, %swap3A_137, %swap3A_138], %swap3A_141 {strides = array<i32>} : memref<1x32x32x128xf32, #tpu.memory_space<vmem>>, vector<1x32x32x128xf32>,
    %reduce_sum3A_142 = arith.constant dense<0.000000e+00> : vector<32x128xf32>
    %reduce_sum3A_143 = vector.multi_reduction <add>, %max3A_134, %reduce_sum3A_142 [1] : vector<32x32x128xf32> to vector<32x128xf32>
    %div3A_144 = arith.constant 3.200000e+01 : f32
    %div3A_145 = vector.broadcast %div3A_144 : f32 to vector<32x128xf32>
    %div3A_146 = arith.divf %reduce_sum3A_143, %div3A_145 : vector<32x128xf32>
    %get3A_147 = arith.constant 0 : index
    %get3A_148 = arith.constant 0 : index
    %get3A_149 = vector.load %arg13[%get3A_147, %get3A_148] : memref<128x128xf32, #tpu.memory_space<vmem>>, vector<128x128xf32>
    %dot_general3A_150 = arith.constant dense<0.000000e+00> : vector<32x128xf32>
    %dot_general3A_151 = tpu.matmul %div3A_146, %get3A_149, %dot_general3A_150 {dimension_numbers = #tpu.dot_dimension_numbers<[1], [0], [0], [1], [0, 0, 1, 1], [], []>, precision = #tpu.contract_precision<fp32>, transpose_lhs_hint = false} : vector<32x128xf32>, vector<128x128xf32>, vector<32x128xf32> -> vector<32x128xf32>
    %get3A_152 = arith.constant 0 : index
    %get3A_153 = arith.constant 0 : index
    %get3A_154 = vector.load %arg14[%get3A_152, %get3A_153] : memref<1x128xf32, #tpu.memory_space<vmem>>, vector<1x128xf32>
    %add3A_155 = vector.broadcast %get3A_154 : vector<1x128xf32> to vector<32x128xf32>
    %add3A_156 = arith.addf %dot_general3A_151, %add3A_155 : vector<32x128xf32>
    %swap3A_157 = arith.constant 0 : index
    %swap3A_158 = arith.constant 0 : index
    %swap3A_159 = arith.constant 0 : index
    %swap3A_160 = vector.load %arg21[%swap3A_157, %swap3A_158, %swap3A_159] : memref<1x32x128xf32, #tpu.memory_space<vmem>>, vector<1x32x128xf32>
    %swap3A_161 = vector.shape_cast %swap3A_160 : vector<1x32x128xf32> to vector<32x128xf32>
    %swap3A_162 = vector.shape_cast %add3A_156 : vector<32x128xf32> to vector<1x32x128xf32>
    tpu.vector_store %arg21[%swap3A_157, %swap3A_158, %swap3A_159], %swap3A_162 {strides = array<i32>} : memref<1x32x128xf32, #tpu.memory_space<vmem>>, vector<1x32x128xf32>,
    %reduce_sum3A_163 = arith.constant dense<0.000000e+00> : vector<128xf32>
    %reduce_sum3A_164 = vector.multi_reduction <add>, %div3A_146, %reduce_sum3A_163 [0] : vector<32x128xf32> to vector<128xf32>
    %broadcast_in_dim3A_165 = vector.shape_cast %reduce_sum3A_164 : vector<128xf32> to vector<1x128xf32>
    %div3A_166 = arith.constant 3.200000e+01 : f32
    %div3A_167 = vector.broadcast %div3A_166 : f32 to vector<1x128xf32>
    %div3A_168 = arith.divf %broadcast_in_dim3A_165, %div3A_167 : vector<1x128xf32>
    %mul3A_169 = arith.mulf %get3A_3, %get3A_8 : vector<256x32xf32>
    %reduce_sum3A_170 = arith.constant dense<0.000000e+00> : vector<32xf32>
    %reduce_sum3A_171 = vector.multi_reduction <add>, %get3A_8, %reduce_sum3A_170 [0] : vector<256x32xf32> to vector<32xf32>
    %broadcast_in_dim3A_172 = vector.shape_cast %reduce_sum3A_171 : vector<32xf32> to vector<1x32xf32>
    %max3A_173 = arith.constant 1.000000e+00 : f32
    %max3A_174 = vector.broadcast %max3A_173 : f32 to vector<1x32xf32>
    %max3A_175 = arith.maximumf %broadcast_in_dim3A_172, %max3A_174 : vector<1x32xf32>
    %reduce_sum3A_176 = arith.constant dense<0.000000e+00> : vector<32xf32>
    %reduce_sum3A_177 = vector.multi_reduction <add>, %mul3A_169, %reduce_sum3A_176 [0] : vector<256x32xf32> to vector<32xf32>
    %broadcast_in_dim3A_178 = vector.shape_cast %reduce_sum3A_177 : vector<32xf32> to vector<1x32xf32>
    %div3A_179 = arith.divf %broadcast_in_dim3A_178, %max3A_175 : vector<1x32xf32>
    %sub3A = vector.broadcast %div3A_179 : vector<1x32xf32> to vector<256x32xf32>
    %sub3A_180 = arith.subf %mul3A_169, %sub3A : vector<256x32xf32>
    %integer_pow3A = arith.mulf %sub3A_180, %sub3A_180 : vector<256x32xf32>
    %mul3A_181 = arith.mulf %integer_pow3A, %get3A_8 : vector<256x32xf32>
    %reduce_sum3A_182 = arith.constant dense<0.000000e+00> : vector<32xf32>
    %reduce_sum3A_183 = vector.multi_reduction <add>, %mul3A_181, %reduce_sum3A_182 [0] : vector<256x32xf32> to vector<32xf32>
    %broadcast_in_dim3A_184 = vector.shape_cast %reduce_sum3A_183 : vector<32xf32> to vector<1x32xf32>
    %div3A_185 = arith.divf %broadcast_in_dim3A_184, %max3A_175 : vector<1x32xf32>
    %iota3A_186 = tpu.iota {dimensions = array<i32: 0>} : vector<256x32xi32>
    %convert_element_type3A_187 = arith.sitofp %iota3A_186 : vector<256x32xi32> to vector<256x32xf32>
    %mul3A_188 = arith.mulf %mul3A_169, %convert_element_type3A_187 : vector<256x32xf32>
    %mul3A_189 = arith.mulf %mul3A_188, %get3A_8 : vector<256x32xf32>
    %reduce_sum3A_190 = arith.constant dense<0.000000e+00> : vector<32xf32>
    %reduce_sum3A_191 = vector.multi_reduction <add>, %mul3A_189, %reduce_sum3A_190 [0] : vector<256x32xf32> to vector<32xf32>
    %broadcast_in_dim3A_192 = vector.shape_cast %reduce_sum3A_191 : vector<32xf32> to vector<1x32xf32>
    %div3A_193 = arith.divf %broadcast_in_dim3A_192, %max3A_175 : vector<1x32xf32>
    %mul3A_194 = arith.constant 1.275000e+02 : f32
    %mul3A_195 = vector.broadcast %mul3A_194 : f32 to vector<1x32xf32>
    %mul3A_196 = arith.mulf %div3A_179, %mul3A_195 : vector<1x32xf32>
    %sub3A_197 = arith.subf %div3A_193, %mul3A_196 : vector<1x32xf32>
    %iota3A_198 = tpu.iota {dimensions = array<i32: 0>} : vector<32x32xi32>
    %iota3A_199 = tpu.iota {dimensions = array<i32: 1>} : vector<32x32xi32>
    %eq3A_200 = arith.cmpi eq, %iota3A_198, %iota3A_199 : vector<32x32xi32>
    %convert_element_type3A_201 = arith.extui %eq3A_200 : vector<32x32xi1> to vector<32x32xi32>
    %convert_element_type3A_202 = arith.sitofp %convert_element_type3A_201 : vector<32x32xi32> to vector<32x32xf32>
    %broadcast_in_dim3A_203 = arith.constant 1.000000e+00 : f32
    %broadcast_in_dim3A_204 = vector.broadcast %broadcast_in_dim3A_203 : f32 to vector<32x1xf32>
    %mul3A_205 = vector.broadcast %div3A_179 : vector<1x32xf32> to vector<32x32xf32>
    %mul3A_206 = arith.mulf %convert_element_type3A_202, %mul3A_205 : vector<32x32xf32>
    %dot_general3A_207 = arith.constant dense<0.000000e+00> : vector<32x1xf32>
    %dot_general3A_208 = tpu.matmul %mul3A_206, %broadcast_in_dim3A_204, %dot_general3A_207 {dimension_numbers = #tpu.dot_dimension_numbers<[1], [0], [0], [1], [0, 0, 1, 1], [], []>, precision = #tpu.contract_precision<fp32>, transpose_lhs_hint = false} : vector<32x32xf32>, vector<32x1xf32>, vector<32x1xf32> -> vector<32x1xf32>
    %mul3A_209 = vector.broadcast %div3A_185 : vector<1x32xf32> to vector<32x32xf32>
    %mul3A_210 = arith.mulf %convert_element_type3A_202, %mul3A_209 : vector<32x32xf32>
    %dot_general3A_211 = arith.constant dense<0.000000e+00> : vector<32x1xf32>
    %dot_general3A_212 = tpu.matmul %mul3A_210, %broadcast_in_dim3A_204, %dot_general3A_211 {dimension_numbers = #tpu.dot_dimension_numbers<[1], [0], [0], [1], [0, 0, 1, 1], [], []>, precision = #tpu.contract_precision<fp32>, transpose_lhs_hint = false} : vector<32x32xf32>, vector<32x1xf32>, vector<32x1xf32> -> vector<32x1xf32>
    %mul3A_213 = vector.broadcast %sub3A_197 : vector<1x32xf32> to vector<32x32xf32>
    %mul3A_214 = arith.mulf %convert_element_type3A_202, %mul3A_213 : vector<32x32xf32>
    %dot_general3A_215 = arith.constant dense<0.000000e+00> : vector<32x1xf32>
    %dot_general3A_216 = tpu.matmul %mul3A_214, %broadcast_in_dim3A_204, %dot_general3A_215 {dimension_numbers = #tpu.dot_dimension_numbers<[1], [0], [0], [1], [0, 0, 1, 1], [], []>, precision = #tpu.contract_precision<fp32>, transpose_lhs_hint = false} : vector<32x32xf32>, vector<32x1xf32>, vector<32x1xf32> -> vector<32x1xf32>
    %concatenate3A = tpu.concatenate %dot_general3A_208, %dot_general3A_212, %dot_general3A_216 in 1 : vector<32x1xf32>, vector<32x1xf32>, vector<32x1xf32> -> vector<32x3xf32>
    %get3A_217 = arith.constant 0 : index
    %get3A_218 = arith.constant 0 : index
    %get3A_219 = vector.load %arg9[%get3A_217, %get3A_218] : memref<3x128xf32, #tpu.memory_space<vmem>>, vector<3x128xf32>
    %dot_general3A_220 = arith.constant dense<0.000000e+00> : vector<32x128xf32>
    %dot_general3A_221 = tpu.matmul %concatenate3A, %get3A_219, %dot_general3A_220 {dimension_numbers = #tpu.dot_dimension_numbers<[1], [0], [0], [1], [0, 0, 1, 1], [], []>, precision = #tpu.contract_precision<fp32>, transpose_lhs_hint = false} : vector<32x3xf32>, vector<3x128xf32>, vector<32x128xf32> -> vector<32x128xf32>
    %get3A_222 = arith.constant 0 : index
    %get3A_223 = arith.constant 0 : index
    %get3A_224 = vector.load %arg10[%get3A_222, %get3A_223] : memref<1x128xf32, #tpu.memory_space<vmem>>, vector<1x128xf32>
    %add3A_225 = vector.broadcast %get3A_224 : vector<1x128xf32> to vector<32x128xf32>
    %add3A_226 = arith.addf %dot_general3A_221, %add3A_225 : vector<32x128xf32>
    %max3A_227 = arith.constant 0.000000e+00 : f32
    %max3A_228 = vector.broadcast %max3A_227 : f32 to vector<32x128xf32>
    %max3A_229 = arith.maximumf %add3A_226, %max3A_228 : vector<32x128xf32>
    %broadcast_in_dim3A_230 = vector.shape_cast %max3A_229 : vector<32x128xf32> to vector<1x32x128xf32>
    %broadcast_in_dim3A_231 = vector.shape_cast %broadcast_in_dim3A_230 : vector<1x32x128xf32> to vector<1x32x128xf32>
    %broadcast_in_dim3A_232 = vector.broadcast %broadcast_in_dim3A_231 : vector<1x32x128xf32> to vector<3x32x128xf32>
    %swap3A_233 = arith.constant 0 : index
    %swap3A_234 = arith.constant 0 : index
    %swap3A_235 = arith.constant 0 : index
    %swap3A_236 = arith.constant 0 : index
    %swap3A_237 = vector.load %arg19[%swap3A_233, %swap3A_234, %swap3A_235, %swap3A_236] : memref<1x3x32x128xf32, #tpu.memory_space<vmem>>, vector<1x3x32x128xf32>
    %swap3A_238 = vector.shape_cast %swap3A_237 : vector<1x3x32x128xf32> to vector<3x32x128xf32>
    %swap3A_239 = vector.shape_cast %broadcast_in_dim3A_232 : vector<3x32x128xf32> to vector<1x3x32x128xf32>
    tpu.vector_store %arg19[%swap3A_233, %swap3A_234, %swap3A_235, %swap3A_236], %swap3A_239 {strides = array<i32>} : memref<1x3x32x128xf32, #tpu.memory_space<vmem>>, vector<1x3x32x128xf32>,
    %reduce_sum3A_240 = arith.constant dense<0.000000e+00> : vector<128xf32>
    %reduce_sum3A_241 = vector.multi_reduction <add>, %max3A_229, %reduce_sum3A_240 [0] : vector<32x128xf32> to vector<128xf32>
    %broadcast_in_dim3A_242 = vector.shape_cast %reduce_sum3A_241 : vector<128xf32> to vector<1x128xf32>
    %div3A_243 = arith.constant 3.200000e+01 : f32
    %div3A_244 = vector.broadcast %div3A_243 : f32 to vector<1x128xf32>
    %div3A_245 = arith.divf %broadcast_in_dim3A_242, %div3A_244 : vector<1x128xf32>
    %concatenate3A_246 = tpu.concatenate %div3A_50, %div3A_168, %div3A_245 in 0 : vector<1x128xf32>, vector<1x128xf32>, vector<1x128xf32> -> vector<3x128xf32>
    %get3A_247 = arith.constant 0 : index
    %get3A_248 = arith.constant 0 : index
    %get3A_249 = vector.load %arg15[%get3A_247, %get3A_248] : memref<128x128xf32, #tpu.memory_space<vmem>>, vector<128x128xf32>
    %dot_general3A_250 = arith.constant dense<0.000000e+00> : vector<3x128xf32>
    %dot_general3A_251 = tpu.matmul %concatenate3A_246, %get3A_249, %dot_general3A_250 {dimension_numbers = #tpu.dot_dimension_numbers<[1], [0], [0], [1], [0, 0, 1, 1], [], []>, precision = #tpu.contract_precision<fp32>, transpose_lhs_hint = false} : vector<3x128xf32>, vector<128x128xf32>, vector<3x128xf32> -> vector<3x128xf32>
    %get3A_252 = arith.constant 0 : index
    %get3A_253 = arith.constant 0 : index
    %get3A_254 = vector.load %arg16[%get3A_252, %get3A_253] : memref<1x128xf32, #tpu.memory_space<vmem>>, vector<1x128xf32>
    %add3A_255 = vector.broadcast %get3A_254 : vector<1x128xf32> to vector<3x128xf32>
    %add3A_256 = arith.addf %dot_general3A_251, %add3A_255 : vector<3x128xf32>
    %swap3A_257 = arith.constant 0 : index
    %swap3A_258 = arith.constant 0 : index
    %swap3A_259 = arith.constant 0 : index
    %swap3A_260 = vector.load %arg22[%swap3A_257, %swap3A_258, %swap3A_259] : memref<1x3x128xf32, #tpu.memory_space<vmem>>, vector<1x3x128xf32>
    %swap3A_261 = vector.shape_cast %swap3A_260 : vector<1x3x128xf32> to vector<3x128xf32>
    %swap3A_262 = vector.shape_cast %add3A_256 : vector<3x128xf32> to vector<1x3x128xf32>
    tpu.vector_store %arg22[%swap3A_257, %swap3A_258, %swap3A_259], %swap3A_262 {strides = array<i32>} : memref<1x3x128xf32, #tpu.memory_space<vmem>>, vector<1x3x128xf32>,
    return
  }
  func.func @transform_0(%arg0: i32) -> (i32, i32, i32) {
    %c0_i32 = arith.constant 0 : i32
    %c0_i32_0 = arith.constant 0 : i32
    %c0_i32_1 = arith.constant 0 : i32
    return %arg0, %c0_i32, %c0_i32_0 : i32, i32, i32
  }
  func.func @transform_1(%arg0: i32) -> (i32, i32, i32) {
    %c0_i32 = arith.constant 0 : i32
    %c0_i32_0 = arith.constant 0 : i32
    %c0_i32_1 = arith.constant 0 : i32
    return %arg0, %c0_i32, %c0_i32_0 : i32, i32, i32
  }
  func.func @transform_2(%arg0: i32) -> (i32, i32) {
    %c0_i32 = arith.constant 0 : i32
    %c0_i32_0 = arith.constant 0 : i32
    %c0_i32_1 = arith.constant 0 : i32
    return %c0_i32, %c0_i32_0 : i32, i32
  }
  func.func @transform_3(%arg0: i32) -> (i32, i32) {
    %c0_i32 = arith.constant 0 : i32
    %c0_i32_0 = arith.constant 0 : i32
    %c0_i32_1 = arith.constant 0 : i32
    return %c0_i32, %c0_i32_0 : i32, i32
  }
  func.func @transform_4(%arg0: i32) -> (i32, i32) {
    %c0_i32 = arith.constant 0 : i32
    %c0_i32_0 = arith.constant 0 : i32
    %c0_i32_1 = arith.constant 0 : i32
    return %c0_i32, %c0_i32_0 : i32, i32
  }
  func.func @transform_5(%arg0: i32) -> (i32, i32) {
    %c0_i32 = arith.constant 0 : i32
    %c0_i32_0 = arith.constant 0 : i32
    %c0_i32_1 = arith.constant 0 : i32
    return %c0_i32, %c0_i32_0 : i32, i32
  }
  func.func @transform_6(%arg0: i32) -> (i32, i32) {
    %c0_i32 = arith.constant 0 : i32
    %c0_i32_0 = arith.constant 0 : i32
    %c0_i32_1 = arith.constant 0 : i32
    return %c0_i32, %c0_i32_0 : i32, i32
  }
  func.func @transform_7(%arg0: i32) -> (i32, i32) {
    %c0_i32 = arith.constant 0 : i32
    %c0_i32_0 = arith.constant 0 : i32
    %c0_i32_1 = arith.constant 0 : i32
    return %c0_i32, %c0_i32_0 : i32, i32
  }
  func.func @transform_8(%arg0: i32) -> (i32, i32) {
    %c0_i32 = arith.constant 0 : i32
    %c0_i32_0 = arith.constant 0 : i32
    %c0_i32_1 = arith.constant 0 : i32
    return %c0_i32, %c0_i32_0 : i32, i32
  }
  func.func @transform_9(%arg0: i32) -> (i32, i32) {
    %c0_i32 = arith.constant 0 : i32
    %c0_i32_0 = arith.constant 0 : i32
    %c0_i32_1 = arith.constant 0 : i32
    return %c0_i32, %c0_i32_0 : i32, i32
  }
  func.func @transform_10(%arg0: i32) -> (i32, i32) {
    %c0_i32 = arith.constant 0 : i32
    %c0_i32_0 = arith.constant 0 : i32
    %c0_i32_1 = arith.constant 0 : i32
    return %c0_i32, %c0_i32_0 : i32, i32
  }
  func.func @transform_11(%arg0: i32) -> (i32, i32) {
    %c0_i32 = arith.constant 0 : i32
    %c0_i32_0 = arith.constant 0 : i32
    %c0_i32_1 = arith.constant 0 : i32
    return %c0_i32, %c0_i32_0 : i32, i32
  }
  func.func @transform_12(%arg0: i32) -> (i32, i32) {
    %c0_i32 = arith.constant 0 : i32
    %c0_i32_0 = arith.constant 0 : i32
    %c0_i32_1 = arith.constant 0 : i32
    return %c0_i32, %c0_i32_0 : i32, i32
  }
  func.func @transform_13(%arg0: i32) -> (i32, i32) {
    %c0_i32 = arith.constant 0 : i32
    %c0_i32_0 = arith.constant 0 : i32
    %c0_i32_1 = arith.constant 0 : i32
    return %c0_i32, %c0_i32_0 : i32, i32
  }
  func.func @transform_14(%arg0: i32) -> (i32, i32) {
    %c0_i32 = arith.constant 0 : i32
    %c0_i32_0 = arith.constant 0 : i32
    %c0_i32_1 = arith.constant 0 : i32
    return %c0_i32, %c0_i32_0 : i32, i32
  }
  func.func @transform_15(%arg0: i32) -> (i32, i32) {
    %c0_i32 = arith.constant 0 : i32
    %c0_i32_0 = arith.constant 0 : i32
    %c0_i32_1 = arith.constant 0 : i32
    return %c0_i32, %c0_i32_0 : i32, i32
  }
  func.func @transform_16(%arg0: i32) -> (i32, i32, i32, i32) {
    %c0_i32 = arith.constant 0 : i32
    %c0_i32_0 = arith.constant 0 : i32
    %c0_i32_1 = arith.constant 0 : i32
    %c0_i32_2 = arith.constant 0 : i32
    return %arg0, %c0_i32, %c0_i32_0, %c0_i32_1 : i32, i32, i32, i32
  }
  func.func @transform_17(%arg0: i32) -> (i32, i32, i32, i32) {
    %c0_i32 = arith.constant 0 : i32
    %c0_i32_0 = arith.constant 0 : i32
    %c0_i32_1 = arith.constant 0 : i32
    %c0_i32_2 = arith.constant 0 : i32
    return %arg0, %c0_i32, %c0_i32_0, %c0_i32_1 : i32, i32, i32, i32
  }
  func.func @transform_18(%arg0: i32) -> (i32, i32, i32, i32) {
    %c0_i32 = arith.constant 0 : i32
    %c0_i32_0 = arith.constant 0 : i32
    %c0_i32_1 = arith.constant 0 : i32
    %c0_i32_2 = arith.constant 0 : i32
    return %arg0, %c0_i32, %c0_i32_0, %c0_i32_1 : i32, i32, i32, i32
  }
  func.func @transform_19(%arg0: i32) -> (i32, i32, i32) {
    %c0_i32 = arith.constant 0 : i32
    %c0_i32_0 = arith.constant 0 : i32
    %c0_i32_1 = arith.constant 0 : i32
    return %arg0, %c0_i32, %c0_i32_0 : i32, i32, i32
  }
  func.func @transform_20(%arg0: i32) -> (i32, i32, i32) {
    %c0_i32 = arith.constant 0 : i32
    %c0_i32_0 = arith.constant 0 : i32
    %c0_i32_1 = arith.constant 0 : i32
    return %arg0, %c0_i32, %c0_i32_0 : i32, i32, i32
  }
  func.func @transform_21(%arg0: i32) -> (i32, i32, i32) {
    %c0_i32 = arith.constant 0 : i32
    %c0_i32_0 = arith.constant 0 : i32
    %c0_i32_1 = arith.constant 0 : i32
    return %arg0, %c0_i32, %c0_i32_0 : i32, i32, i32
  }
}

</mosaic_0001>

<sc_bundles>
// kernel: kernel.4.cloned.1.call-start
scs
__scs_entry_jumppad:
0x0: {  	(pc) =	sbr.rel $0x88, $3  }
0x1: {  	(tag) =	ssettag $0x0;
	lr =	simm.s32 $0x1  }
0x2: {  	[smem:$0x3F93] =	sst lr;
	_ =	strace $0xD0000000  }
0x3: {  	_ = 	snop  }
0x4: {  	_ = 	snop  }
0x5: {  	_ = 	snop  }
0x6: {  	_ = 	snop  }
0x7: {  	_ = 	snop  }
__scs_overlays_trampoline_lowered:
0x8: {  	[smem:$0x3FA2] =	sst s0  }
0x9: {  	[smem:$0x3FA3] =	sst s1  }
0xa: {  	[smem:$0x3FA4] =	sst s2  }
0xb: {  	[smem:$0x3FA5] =	sst s3  }
0xc: {  	[smem:$0x3FA6] =	sst s4  }
0xd: {  	[smem:$0x3FA7] =	sst s5  }
0xe: {  	[smem:$0x3FA8] =	sst s6  }
0xf: {  	[smem:$0x3FA9] =	sst s7  }
0x10: {  	[smem:$0x3FAA] =	sst s8  }
0x11: {  	[smem:$0x3FAB] =	sst s9;
	s0 =	simm.s32 @!p0 $0x0  }
0x12: {  	s1 =	sld [smem:$0x3F91];
	s0 =	simm.s32 @p0 $0x1  }
0x13: {  	[smem:$0x3FAC] =	sst s0;
	s0 =	simm.s32 @!p1 $0x0  }
0x14: {  	s2 =	sld [smem:$0x3F90];
	s0 =	simm.s32 @p1 $0x1  }
0x15: {  	[smem:$0x3FAD] =	sst s0;
	s0 =	simm.s32 @!p2 $0x0  }
0x16: {  	s3 =	sld [smem:$0x3FDB];
	s0 =	simm.s32 @p2 $0x1  }
0x17: {  	s4 =	simm.s32 $0x1BF5;
	[smem:$0x3FAF] =	sst s0  }
0x18: {  	s0 =	sld [smem:$0x3F92];
	_ =	swait.ge [sflag:s4], $0x0  }
0x19: {  	s7 =	sld [smem:$0x3F93]  }
0x1a: {  	s8 =	sadd.s32 $0xFFFFE003, lr  }
0x1b: {  	s9 =	sadd.s32 $0xFFFFFEF7, lr;
	s5 =	simm.s32 $0xFFFFFFFF;
	p2 =	slt.u32 s8, $0xFFFFF086  }
0x1c: {  	p1 =	slt.u32 s9, $0xF7A;
	s5 =	simm.s32 @!p2 $0x0  }
0x1d: {  	s5 =	simm.s32 @p1 $0x1;
	p0 =	seq.s32 s7, s2  }
0x1e: {  	s7 =	smul.u32 @!p0 $0xF7A, s2;
	p2 =	seq.s32 @!p0 s5, $0x0  }
0x1f: {  	s9 =	smul.u32 $0xF7A, s1;
	s8 =	simm.s32 @!p0 $0x1BF5;
	p2 =	por !p2, p0  }
0x20: {  	[sflag:s8] =	ssyncset.s32 @!p0 $0xFFFFF086;
	s6 =	sadd.s32 @!p0 s3, s7;
	s7 =	simm.s32 @!p0 $0x108  }
0x21: {  	s3 =	sadd.s32 s3, s9;
	s6 =	sadd.s32 @!p0 $0x88, s6;
	s7 =	simm.s32 @p2 $0x1082  }
0x22: {  	[simem:s7], [sflag:s8] =	dma.local @!p0 [hbm:s6], $0xF7A  }
0x23: {  	s9 =	sor.u32 $0xD0000000, s2;
	s6 =	simm.s32 $0x108;
	_ =	swait.ge @!p0 [sflag:s8], $0x0  }
0x24: {  	s3 =	sadd.s32 $0x88, s3;
	s6 =	simm.s32 @!p1 $0x1082;
	[sflag:s4] =	ssyncset.s32 $0xFFFFF086  }
0x25: {  	[simem:s6], [sflag:s4] =	dma.local [hbm:s3], $0xF7A  }
0x26: {  	[smem:$0x3F93] =	sst s1;
	(tag) =	ssettag s2;
	_ =	strace s9  }
0x27: {  	s1 =	sld [smem:$0x3FA3]  }
0x28: {  	s2 =	sld [smem:$0x3FA4]  }
0x29: {  	s4 =	sld [smem:$0x3FA6]  }
0x2a: {  	p0 =	seq.s32 s5, $0x0;
	s5 =	sld [smem:$0x3FA7]  }
0x2b: {  	s6 =	sld [smem:$0x3FA8]  }
0x2c: {  	s7 =	sld [smem:$0x3FA9]  }
0x2d: {  	s3 =	simm.s32 $0x108;
	s8 =	sld [smem:$0x3FAA]  }
0x2e: {  	s3 =	simm.s32 @!p0 $0x1082;
	s9 =	sld [smem:$0x3FAB]  }
0x2f: {  	lr =	sadd.s32 s0, s3;
	s0 =	sld [smem:$0x3FA2]  }
0x30: {  	s3 =	sld [smem:$0x3FA5]  }
0x31: {  	[smem:$0x3FAE] =	sst s10  }
0x32: {  	s10 =	sld [smem:$0x3FAC];
	_ =	sdelay $0x3  }
0x33: {  	p0 =	seq.s32 s10, $0x1;
	s10 =	sld [smem:$0x3FAE];
	_ =	sdelay $0x3  }
0x34: {  	[smem:$0x3FAE] =	sst s10  }
0x35: {  	s10 =	sld [smem:$0x3FAD];
	_ =	sdelay $0x3  }
0x36: {  	p1 =	seq.s32 s10, $0x1;
	s10 =	sld [smem:$0x3FAE];
	_ =	sdelay $0x3  }
0x37: {  	[smem:$0x3FAE] =	sst s10  }
0x38: {  	s10 =	sld [smem:$0x3FAF]  }
0x39: {  	_ = 	snop;
	(pc) =	sbr.ind lr, $3  }
0x3a: {  	_ = 	snop  }
0x3b: {  	_ = 	snop  }
0x3c: {  	p2 =	seq.s32 s10, $0x1;
	s10 =	sld [smem:$0x3FAE]  }
0x3d: {  	_ =	shalt  }
0x3e: {  	_ =	shalt  }
0x3f: {  	_ =	shalt  }
0x40: {  	_ =	shalt  }
0x41: {  	_ =	shalt  }
0x42: {  	_ =	shalt  }
0x43: {  	_ =	shalt  }
0x44: {  	_ =	shalt  }
0x45: {  	_ =	shalt  }
0x46: {  	_ =	shalt  }
0x47: {  	_ =	shalt  }
0x48: {  	_ =	shalt  }
0x49: {  	_ =	shalt  }
0x4a: {  	_ =	shalt  }
0x4b: {  	_ =	shalt  }
0x4c: {  	_ =	shalt  }
0x4d: {  	_ =	shalt  }
0x4e: {  	_ =	shalt  }
0x4f: {  	_ =	shalt  }
0x50: {  	_ =	shalt  }
0x51: {  	_ =	shalt  }
0x52: {  	_ =	shalt  }
0x53: {  	_ =	shalt  }
0x54: {  	_ =	shalt  }
0x55: {  	_ =	shalt  }
0x56: {  	_ =	shalt  }
0x57: {  	_ =	shalt  }
0x58: {  	_ =	shalt  }
0x59: {  	_ =	shalt  }
0x5a: {  	_ =	shalt  }
0x5b: {  	_ =	shalt  }
0x5c: {  	_ =	shalt  }
0x5d: {  	_ =	shalt  }
0x5e: {  	_ =	shalt  }
0x5f: {  	_ =	shalt  }
0x60: {  	_ =	shalt  }
0x61: {  	_ =	shalt  }
0x62: {  	_ =	shalt  }
0x63: {  	_ =	shalt  }
0x64: {  	_ =	shalt  }
0x65: {  	_ =	shalt  }
0x66: {  	_ =	shalt  }
0x67: {  	_ =	shalt  }
0x68: {  	_ =	shalt  }
0x69: {  	_ =	shalt  }
0x6a: {  	_ =	shalt  }
0x6b: {  	_ =	shalt  }
0x6c: {  	_ =	shalt  }
0x6d: {  	_ =	shalt  }
0x6e: {  	_ =	shalt  }
0x6f: {  	_ =	shalt  }
0x70: {  	_ =	shalt  }
0x71: {  	_ =	shalt  }
0x72: {  	_ =	shalt  }
0x73: {  	_ =	shalt  }
0x74: {  	_ =	shalt  }
0x75: {  	_ =	shalt  }
0x76: {  	_ =	shalt  }
0x77: {  	_ =	shalt  }
0x78: {  	_ =	shalt  }
0x79: {  	_ =	shalt  }
0x7a: {  	_ =	shalt  }
0x7b: {  	_ =	shalt  }
0x7c: {  	_ =	shalt  }
0x7d: {  	_ =	shalt  }
0x7e: {  	_ =	shalt  }
0x7f: {  	_ =	shalt  }
0x80: {  	_ =	shalt  }
0x81: {  	_ =	shalt  }
0x82: {  	_ =	shalt  }
0x83: {  	_ =	shalt  }
0x84: {  	_ =	shalt  }
0x85: {  	_ =	shalt  }
0x86: {  	_ =	shalt  }
0x87: {  	_ =	shalt  }
.Lfunc_end0:
.L_simem_size_0:
called_computation_lowered:
.L_overlay_start_0:
0x88: {  	s2 =	sld [smem:$0x3FD9]  }
0x89: {  	s3 =	sld [smem:$0x3FFE];
	_ =	sdelay $0x1  }
0x8a: {  	s1 =	srdreg.scid  }
0x8b: {  	s0 =	sand.u32 $0x1, s1  }
0x8c: {  	s14 =	sshll.u32 s0, $0xA;
	s2 =	sadd.s32 s3, s2  }
0x8d: {  	s2 =	sadd.s32 s2, s14  }
0x8e: {  	[smem:$0x3FBA] =	sst s2  }
0x8f: {  	_ = 	snop  }
0x90: {  	s2 =	sld [smem:$0x3FD0];
	_ =	sdelay $0x2  }
0x91: {  	s15 =	simm.s32 $0xA;
	s4 =	simm.s32 $0x10  }
0x92: {  	[smem:s4], [sflag:s15] =	dma.local [hbm:s2], $0x1  }
0x93: {  	_ =	swait.eq [sflag:s15], $0x1  }
0x94: {  	[sflag:s15] =	ssyncset.done $0x0  }
0x95: {  	[sflag:s15] =	ssyncadd.s32 $0xFFFFFFFF  }
0x96: {  	s16 =	sld [smem:$0x16];
	(tm) =	ssettm $0x1  }
0x97: {  	s17 =	sld [smem:$0x3FFB];
	_ =	sdelay $0x3  }
0x98: {  	_ =	strace s17  }
0x99: {  	s3 =	sld [smem:$0x3FFC];
	_ =	sdelay $0x3  }
0x9a: {  	_ =	strace s3  }
0x9b: {  	s3 =	sld [smem:$0x3FFD];
	_ =	sdelay $0x3  }
0x9c: {  	_ =	strace s3  }
0x9d: {  	_ =	strace $0x8FFFFFFF  }
0x9e: {  	s18 =	sld [smem:$0x3FDB];
	_ =	sdelay $0x1  }
0x9f: {  	s19 =	simm.s32 $_scs_section_size  }
0xa0: {  	s5 =	simm.s32 $_size__tile_overlayer_lowered;
	s6 =	simm.s32 $_tile_overlayer_lowered  }
0xa1: {  	s22 =	simm.s32 $0x1BFF;
	s21 =	sshll.u32 s6, $0x1;
	s3 =	sadd.s32 s19, s18  }
0xa2: {  	s7 =	simm.s32 $0x0;
	s20 =	sshll.u32 s5, $0x1;
	s5 =	sadd.s32 s21, s3  }
0xa3: {  	[timem:s7], [sflag:s22] =	dma.local [hbm:s5], s20  }
0xa4: {  	_ =	swait.ge [sflag:s22], s20  }
0xa5: {  	s4 =	ssub.s32 $0x0, s20;
	[sflag:s22] =	ssyncset.done $0x0  }
0xa6: {  	[sflag:s22] =	ssyncadd.s32 s4;
	_ =	sdelay $0x1  }
0xa7: {  	s23 =	simm.s32 $0x1B8B  }
0xa8: {  	_ =	swait.ge [sflag:s23], $0x1  }
0xa9: {  	[sflag:s23] =	ssyncset.done $0x0  }
0xaa: {  	s25 =	simm.s32 $0x1B8E;
	s24 =	sld [smem:$0x3FFE];
	[sflag:s23] =	ssyncadd.s32 $0xFFFFFFFF  }
0xab: {  	s26 =	simm.s32 $execute0_lowered;
	[smem:$0x3FD2] =	sst s25  }
0xac: {  	s5 =	sshll.u32 s26, $0x1;
	_ =	strace $0x80000046;
	[dreg:$0x1] =	wrdreg $0xFFFFFFFF  }
0xad: {  	s28 =	simm.s32 $_size_execute0_lowered;
	s3 =	sadd.s32 s3, s5;
	[dreg:$0x0] =	wrdreg $0x0  }
0xae: {  	s5 =	sshll.u32 s28, $0x1;
	[dreg:$0x2] =	wrdreg s3  }
0xaf: {  	[dreg:$0x3] =	wrdreg s5  }
0xb0: {  	[dreg:$0x4] =	wrdreg $0xC0  }
0xb1: {  	_ =	task [dreg:s7], $0x5FFFF  }
0xb2: {  	[dreg:$0x1] =	wrdreg $0xFFFFFFFF  }
0xb3: {  	[dreg:$0x0] =	wrdreg $0x60  }
0xb4: {  	[dreg:$0x2] =	wrdreg s24  }
0xb5: {  	[dreg:$0x3] =	wrdreg s16  }
0xb6: {  	[dreg:$0x4] =	wrdreg $0x9  }
0xb7: {  	_ =	task.clear_ibuf [dreg:s7], $0x5FFFF;
	_ =	strace $0x90000046  }
0xb8: {  	s29 =	simm.s32 $0x9;
	_ =	strace $0x80000048  }
0xb9: {  	_ =	swait.ge [sflag:s29], $0x1  }
0xba: {  	[sflag:s29] =	ssyncadd.s32 $0xFFFFFFFF  }
0xbb: {  	_ =	strace $0x90000048  }
0xbc: {  	_ =	sfence  }
0xbd: {  	s30 =	sld [smem:$0x0];
	_ =	sdelay $0x2  }
0xbe: {  	s31 =	sshll.u32 s1, $0xD;
	s1 =	sshrl.u32 s1, $0x2  }
0xbf: {  	s3 =	sand.u32 $0x4000, s31;
	s1 =	sadd.s32 s1, s30  }
0xc0: {  	s0 =	sor.u32 s3, s0;
	s1 =	sshll.u32 s1, $0x11  }
0xc1: {  	s0 =	sor.u32 s1, s0  }
0xc2: {  	s0 =	sadd.s32 $0x8F2B, s0  }
0xc3: {  	[sflag:s0] =	ssyncadd.remote.s32 $0x1  }
0xc4: {  	_ =	sfence.sel $0xFFFF  }
0xc5: {  	[dreg:$0x0] =	wrdreg $0xFFFFFFFF;
	(pc) =	sbr.abs _section_cstart, $3  }
0xc6: {  	[dreg:$0x1] =	wrdreg $0xFFFFFFFF  }
0xc7: {  	_ =	task.clear_ibuf [dreg:s7], $0x2FFFF;
	_ =	strace $0x9FFFFFFF  }
0xc8: {  	(tm) =	ssettm $0x7FFFFFFF  }
0xc9: {  	_ =	shalt  }
tec
execute0_lowered:
.L_overlay_start_1:
0x0: {  	(tag) =	ssettag $0x1  }
0x1: {  	s5 =	rddreg [dreg:$0x0]  }
0x2: {  	s2 =	rddreg [dreg:$0x1]  }
0x3: {  	s3 =	srdreg.scid;
	s1 =	stileid.u32;
	s31 =	simm.s32 $0x4000  }
0x4: {  	s12 =	simm.s32 $0x6000;
	s13 =	simm.s32 $0x2;
	s14 =	simm.s32 $0x0  }
0x5: {  	s7 =	sand.u32 $0x1, s3;
	s3 =	simm.s32 $0x0;
	s4 =	sshll.u32 s1, $0xC  }
0x6: {  	s26 =	sshll.u32 s1, $0x7;
	s28 =	sshll.u32 s1, $0x11;
	s6 =	sshll.u32 s7, $0xB  }
0x7: {  	[smem:$0x7FF] =	sst s3;
	s25 =	ssub.s32 $0x2, s7;
	s9 =	sshll.u32 s7, $0x6  }
0x8: {  	s10 =	sshll.u32 s7, $0x10;
	s4 =	sor.u32 s6, s4;
	_ =	strace $0x80000047  }
0x9: {  	s8 =	sshrl.u32 s25, $0x1;
	s29 =	sor.u32 s10, s28;
	[dreg:$0x4] =	wrdreg s31  }
0xa: {  	s10 =	simm.s32 $0x80;
	[dreg:$0x5] =	wrdreg s12;
	s12 =	simm.s32 $0x1  }
0xb: {  	s5 =	sadd.s32 s4, s5;
	s6 =	ssub.s32 s25, s8;
	s8 =	sor.u32 s9, s26  }
0xc: {  	[dreg:$0x3] =	wrdreg s29;
	s9 =	simm.s32 $0x3;
	s11 =	sand.u32 $0xC0, s8  }
0xd: {  	s5 =	sadd.s32 $0x2400, s5;
	s6 =	smax.u32 s6, $0x1;
	s30 =	sshll.u32 s11, $0x5  }
0xe: {  	v0 =	vimm.f32 $0.0e+00;
	s7 =	sadd.s32 $0xFFFFFFFE, s8;
	s11 =	simm.s32 $0x400;
	s8 =	sor.u32 $0x6030, s30  }
.LBB2_1:
0xf: {  	[tilespmem:s3], [sflag:$0x3] =	stream.linear.gather [hbm4b:s5+s3], $0x4000, $0x38;
	[tilespmem:$0x8000] =	vst v63  }
0x10: {  	_ =	swait.ge [sflag:s9], $0x4000  }
0x11: {  	[sflag:s9] =	ssyncset.done $0x0  }
0x12: {  	s15 =	simm.s32 $0x0;
	[sflag:s9] =	ssyncadd.s32 $0xFFFFC000  }
.LBB2_2:
0x13: {  	p0 =	sne.s32 s15, $0x7FC0  }
.Ltmp0:
0x14: {  	_ = 	snop;
	(pc) =	sbr.rel @p0 .LBB2_2-.Ltmp0, $4  }
0x15: {  	_ = 	snop  }
0x16: {  	s16 =	sshra.s32 s15, $0x2  }
0x17: {  	[tilespmem:s16+$0x4000] =	vst v0  }
0x18: {  	s15 =	sadd.s32 $0x40, s15;
	[tilespmem:s16+$0x6000] =	vst v0  }
0x19: {  	p0 =	por $0x1, $0x1  }
0x1a: {  	s15 =	sshra.s32 @!p0 s7, $0x1F  }
0x1b: {  	s15 =	sshrl.u32 @!p0 s15, $0x18  }
0x1c: {  	s15 =	sadd.s32 @!p0 s15, s7  }
0x1d: {  	s16 =	simm.s32 @!p0 $0x1;
	s15 =	sand.u32 @!p0 $0x1FFFF00, s15  }
0x1e: {  	_ =	swait.ge @!p0 [sflag:s16], $0x2000;
	s15 =	ssub.s32 @!p0 s7, s15  }
0x1f: {  	[sflag:s16] =	ssyncset.done @!p0 $0x0;
	s15 =	sshll.u32 @!p0 s15, $0x7  }
0x20: {  	v1 =	vimm.f32 @!p0 $0.0e+00;
	[sflag:s16] =	ssyncadd.s32 @!p0 $0xFFFFE000;
	s15 =	sshra.s32 @!p0 s15, $0x2  }
0x21: {  	[tilespmem:s15+$0x4000] =	vst @!p0 v1  }
0x22: {  	s23 =	simm.s32 $0x0;
	[tilespmem:s15+$0x4010] =	vst @!p0 v1  }
0x23: {  	v2 =	vld [tilespmem:s23+$0x0];
	_ =	sdelay $0x3  }
0x24: {  	s29 =	sand.u32 $0x1FC0, s4  }
0x25: {  	[tilespmem:s29+$0x4000] =	vst v2  }
0x26: {  	v2 =	vld [tilespmem:s23+$0x80]  }
0x27: {  	s18 =	sadd.s32 @!p0 $0x1, s7;
	s17 =	rddreg [dreg:$0x3]  }
0x28: {  	s20 =	sshra.s32 @!p0 s18, $0x1F;
	s21 =	rddreg [dreg:$0x4];
	s15 =	simm.s32 $0x0  }
0x29: {  	s20 =	sshrl.u32 @!p0 s20, $0x18;
	s17 =	sadd.s32 $0x0, s17;
	s19 =	sand.u32 $0x60, s15  }
0x2a: {  	s20 =	sadd.s32 @!p0 s20, s18;
	s22 =	sand.u32 $0xFFFE000, s17;
	s19 =	sadd.s32 s2, s19  }
0x2b: {  	s20 =	sand.u32 @!p0 $0x1FFFF00, s20;
	s30 =	sadd.s32 s22, s19;
	s19 =	simm.s32 @!p0 $0x2;
	[tilespmem:s29+$0x4010] =	vst v2  }
0x2c: {  	[hbm4b:s30+s10] =	stream.strided.scatter [tilespmem:s21], [sflag:$0x1], $0x2000, s11, s10, $0x38;
	[tilespmem:$0x8000] =	vst v63  }
0x2d: {  	s16 =	ssub.s32 @!p0 s18, s20;
	_ =	swait.ge @!p0 [sflag:s19], $0x2000  }
0x2e: {  	s16 =	sshll.u32 @!p0 s16, $0x7;
	[sflag:s19] =	ssyncset.done @!p0 $0x0  }
0x2f: {  	s16 =	sshra.s32 @!p0 s16, $0x2;
	[sflag:s19] =	ssyncadd.s32 @!p0 $0xFFFFE000  }
0x30: {  	[tilespmem:s16+$0x6000] =	vst @!p0 v1  }
0x31: {  	[tilespmem:s16+$0x6010] =	vst @!p0 v1  }
0x32: {  	v1 =	vld [tilespmem:s23+$0x100]  }
0x33: {  	s31 =	simm.s32 $0x10  }
0x34: {  	s24 =	smov.u32 s8;
	s17 =	sadd.s32 $0x400, s17;
	s18 =	simm.s32 $0x800  }
0x35: {  	s25 =	sand.u32 $0xFFFE000, s17;
	s20 =	sadd.s32 $0x2, s7;
	s17 =	sadd.s32 $0x40, s4  }
0x36: {  	s22 =	simm.s32 $0x1000;
	s21 =	sand.u32 $0x70, s31;
	p0 =	por $0x0, $0x0  }
0x37: {  	s16 =	sadd.s32 $0x40, s8;
	s26 =	sshra.s32 @!p0 s20, $0x1F;
	s19 =	sadd.s32 @!p0 $0x1, s20;
	[tilespmem:s8+$0xFFFFFFF0] =	vst v1  }
.LBB2_4:
0x38: {  	v1 =	vld [tilespmem:s23+$0x180];
	_ =	sdelay $0x1  }
0x39: {  	s28 =	sshrl.u32 @!p0 s26, $0x18  }
0x3a: {  	s15 =	sadd.s32 $0x20, s15;
	s29 =	rddreg [dreg:$0x5];
	s21 =	sadd.s32 s2, s21  }
0x3b: {  	s23 =	sadd.s32 @!p0 s28, s20;
	s30 =	sadd.s32 $0x10, s15;
	s25 =	sadd.s32 s25, s21  }
0x3c: {  	s23 =	sand.u32 @!p0 $0x1FFFF00, s23;
	s28 =	sand.u32 $0x70, s30;
	s30 =	simm.s32 @!p0 $0x1;
	[tilespmem:s24+$0x0] =	vst v1  }
0x3d: {  	[hbm4b:s25+s10] =	stream.strided.scatter [tilespmem:s29], [sflag:$0x2], $0x2000, s11, s10, $0x38;
	[tilespmem:$0x8000] =	vst v63  }
0x3e: {  	s23 =	ssub.s32 @!p0 s20, s23;
	_ =	swait.ge @!p0 [sflag:s30], $0x2000  }
0x3f: {  	s23 =	sshll.u32 @!p0 s23, $0x7;
	[sflag:s30] =	ssyncset.done @!p0 $0x0  }
0x40: {  	s23 =	sshra.s32 @!p0 s23, $0x2;
	v1 =	vimm.f32 @!p0 $0.0e+00;
	[sflag:s30] =	ssyncadd.s32 @!p0 $0xFFFFE000  }
0x41: {  	[tilespmem:s23+$0x4000] =	vst @!p0 v1  }
0x42: {  	[tilespmem:s23+$0x4010] =	vst @!p0 v1;
	s23 =	sshra.s32 s18, $0x2  }
0x43: {  	v2 =	vld [tilespmem:s23+$0x0];
	_ =	sdelay $0x3  }
0x44: {  	s21 =	smov.u32 s28;
	s28 =	sand.u32 $0x1FC0, s17  }
0x45: {  	[tilespmem:s28+$0x4000] =	vst v2  }
0x46: {  	v2 =	vld [tilespmem:s23+$0x80]  }
0x47: {  	s25 =	sshra.s32 @!p0 s19, $0x1F  }
0x48: {  	s29 =	sand.u32 $0x60, s15;
	s25 =	sshrl.u32 @!p0 s25, $0x18;
	s31 =	rddreg [dreg:$0x3]  }
0x49: {  	s29 =	sadd.s32 s2, s29;
	s0 =	sadd.s32 s18, s31;
	s30 =	rddreg [dreg:$0x4]  }
0x4a: {  	s31 =	sand.u32 $0xFFFE000, s0;
	s18 =	sadd.s32 $0x400, s0;
	s0 =	sadd.s32 @!p0 s25, s19  }
0x4b: {  	s31 =	sadd.s32 s31, s29;
	s0 =	sand.u32 @!p0 $0x1FFFF00, s0;
	[tilespmem:s28+$0x4010] =	vst v2;
	s28 =	simm.s32 @!p0 $0x2  }
0x4c: {  	[hbm4b:s31+s10] =	stream.strided.scatter [tilespmem:s30], [sflag:$0x1], $0x2000, s11, s10, $0x38;
	[tilespmem:$0x8000] =	vst v63  }
0x4d: {  	s0 =	ssub.s32 @!p0 s19, s0;
	_ =	swait.ge @!p0 [sflag:s28], $0x2000  }
0x4e: {  	s0 =	sshll.u32 @!p0 s0, $0x7;
	[sflag:s28] =	ssyncset.done @!p0 $0x0  }
0x4f: {  	s0 =	sshra.s32 @!p0 s0, $0x2;
	[sflag:s28] =	ssyncadd.s32 @!p0 $0xFFFFE000  }
0x50: {  	[tilespmem:s0+$0x6000] =	vst @!p0 v1  }
0x51: {  	s26 =	smov.u32 s22;
	s22 =	sadd.s32 $0x800, s22;
	[tilespmem:s0+$0x6010] =	vst @!p0 v1  }
0x52: {  	p1 =	sne.s32 s22, $0x10000;
	v1 =	vld [tilespmem:s23+$0x100]  }
.Ltmp1:
0x53: {  	_ = 	snop;
	(pc) =	sbr.rel @p1 .LBB2_4-.Ltmp1, $4  }
0x54: {  	_ = 	snop  }
0x55: {  	s20 =	sadd.s32 $0x2, s20;
	s25 =	sand.u32 $0xFFFE000, s18;
	s18 =	smov.u32 s26  }
0x56: {  	s17 =	sadd.s32 $0x40, s17;
	s24 =	smov.u32 s16;
	p0 =	seq.s32 s18, $0x0  }
0x57: {  	s16 =	sadd.s32 $0x40, s16;
	s26 =	sshra.s32 @!p0 s20, $0x1F;
	s19 =	sadd.s32 @!p0 $0x1, s20;
	[tilespmem:s24+$0xFFFFFFF0] =	vst v1  }
0x58: {  	v1 =	vld [tilespmem:s23+$0x180];
	_ =	sdelay $0x2  }
0x59: {  	s0 =	sshrl.u32 @!p0 s26, $0x18  }
0x5a: {  	s22 =	rddreg [dreg:$0x5];
	s21 =	sadd.s32 s2, s21;
	s0 =	sadd.s32 @!p0 s0, s20  }
0x5b: {  	s23 =	simm.s32 @!p0 $0x1;
	s21 =	sadd.s32 s25, s21;
	s0 =	sand.u32 @!p0 $0x1FFFF00, s0;
	[tilespmem:s24+$0x0] =	vst v1  }
0x5c: {  	[hbm4b:s21+s10] =	stream.strided.scatter [tilespmem:s22], [sflag:$0x2], $0x2000, s11, s10, $0x38;
	[tilespmem:$0x8000] =	vst v63  }
0x5d: {  	s0 =	ssub.s32 @!p0 s20, s0;
	_ =	swait.ge @!p0 [sflag:s23], $0x2000  }
0x5e: {  	s0 =	sshll.u32 @!p0 s0, $0x7;
	[sflag:s23] =	ssyncset.done @!p0 $0x0  }
0x5f: {  	s0 =	sshra.s32 @!p0 s0, $0x2;
	v1 =	vimm.f32 @!p0 $0.0e+00;
	[sflag:s23] =	ssyncadd.s32 @!p0 $0xFFFFE000  }
0x60: {  	[tilespmem:s0+$0x4000] =	vst @!p0 v1  }
0x61: {  	s31 =	sshra.s32 s18, $0x2;
	[tilespmem:s0+$0x4010] =	vst @!p0 v1  }
0x62: {  	v2 =	vld [tilespmem:s31+$0x0];
	_ =	sdelay $0x3  }
0x63: {  	s17 =	sand.u32 $0x1FC0, s17  }
0x64: {  	[tilespmem:s17+$0x4000] =	vst v2  }
0x65: {  	v2 =	vld [tilespmem:s31+$0x80]  }
0x66: {  	s22 =	sshra.s32 @!p0 s19, $0x1F  }
0x67: {  	s15 =	sadd.s32 $0x20, s15;
	s22 =	sshrl.u32 @!p0 s22, $0x18;
	s21 =	rddreg [dreg:$0x3]  }
0x68: {  	s25 =	rddreg [dreg:$0x4];
	s23 =	sand.u32 $0x60, s15;
	s24 =	sadd.s32 s18, s21  }
0x69: {  	s22 =	sadd.s32 @!p0 s22, s19;
	s26 =	sand.u32 $0xFFFE000, s24;
	s21 =	sadd.s32 s2, s23  }
0x6a: {  	s22 =	sand.u32 @!p0 $0x1FFFF00, s22;
	s28 =	sadd.s32 s26, s21;
	s21 =	simm.s32 @!p0 $0x2;
	[tilespmem:s17+$0x4010] =	vst v2  }
0x6b: {  	[hbm4b:s28+s10] =	stream.strided.scatter [tilespmem:s25], [sflag:$0x1], $0x2000, s11, s10, $0x38;
	[tilespmem:$0x8000] =	vst v63  }
0x6c: {  	s17 =	ssub.s32 @!p0 s19, s22;
	_ =	swait.ge @!p0 [sflag:s21], $0x2000  }
0x6d: {  	s17 =	sshll.u32 @!p0 s17, $0x7;
	[sflag:s21] =	ssyncset.done @!p0 $0x0  }
0x6e: {  	s17 =	sshra.s32 @!p0 s17, $0x2;
	[sflag:s21] =	ssyncadd.s32 @!p0 $0xFFFFE000  }
0x6f: {  	[tilespmem:s17+$0x6000] =	vst @!p0 v1  }
0x70: {  	[tilespmem:s17+$0x6010] =	vst @!p0 v1  }
0x71: {  	v1 =	vld [tilespmem:s31+$0x100];
	_ =	sdelay $0x4  }
0x72: {  	[tilespmem:s16+$0xFFFFFFF0] =	vst v1  }
0x73: {  	v1 =	vld [tilespmem:s31+$0x180];
	_ =	sdelay $0x1  }
0x74: {  	s29 =	sadd.s32 $0x10, s15  }
0x75: {  	s0 =	sand.u32 $0x70, s29;
	s30 =	sadd.s32 $0x400, s24  }
0x76: {  	s15 =	sand.u32 $0xFFFE000, s30;
	s0 =	sadd.s32 s2, s0  }
0x77: {  	s14 =	sadd.s32 $0x1, s14;
	s0 =	sadd.s32 s15, s0;
	s31 =	rddreg [dreg:$0x5];
	[tilespmem:s16+$0x0] =	vst v1  }
0x78: {  	[hbm4b:s0+s10] =	stream.strided.scatter [tilespmem:s31], [sflag:$0x2], $0x2000, s11, s10, $0x38;
	[tilespmem:$0x8000] =	vst v63  }
0x79: {  	p0 =	sne.s32 s14, s6;
	_ =	swait.ge [sflag:s12], $0x2000  }
.Ltmp2:
0x7a: {  	[sflag:s12] =	ssyncset.done $0x0;
	(pc) =	sbr.rel @p0 .LBB2_1-.Ltmp2, $4  }
0x7b: {  	[sflag:s12] =	ssyncadd.s32 $0xFFFFE000  }
0x7c: {  	_ =	swait.ge [sflag:s13], $0x2000  }
0x7d: {  	[sflag:s13] =	ssyncset.done $0x0  }
0x7e: {  	[sflag:s13] =	ssyncadd.s32 $0xFFFFE000  }
0x7f: {  	_ =	sfence.sel $0x180000  }
0x80: {  	[bflag:$0x0] =	sbarrier.arrive $0xFFFF  }
0x81: {  	_ =	strace $0x90000047  }
0x82: {  	[bflag:$0x2] =	sbarrier.arrive $0xFFFF  }
0x83: {  	p0 =	sne.s32 s1, $0x0;
	s0 =	rddreg [dreg:$0x2]  }
0x84: {  	s0 =	sadd.s32 @!p0 $0x100000, s0  }
0x85: {  	[sflag:s0] =	ssyncadd.tile.s32 @!p0 $0x1;
	_ =	shalt  }
.Lfunc_end2:
_tile_overlayer_lowered:
.L_overlay_start_2:
0x86: {  	(tag) =	ssettag $0x2  }
0x87: {  	s0 =	rddreg [dreg:$0x0];
	s2 =	stileid.u32  }
0x88: {  	s1 =	rddreg [dreg:$0x1];
	p0 =	sne.s32 s2, $0x0  }
0x89: {  	s3 =	rddreg [dreg:$0x2];
	[bflag:$0x3] =	sbarrier.arrive $0xFFFF;
	s2 =	simm.s32 @!p0 $0x1C03  }
0x8a: {  	[timem:s3], [sflag:s2] =	dma.local @!p0 [hbm:s0], s1  }
0x8b: {  	s0 =	simm.s32 @!p0 $0x3  }
0x8c: {  	_ =	swait.ge @!p0 [sflag:s0], s1  }
0x8d: {  	s1 =	ssub.s32 @!p0 $0x0, s1;
	[sflag:s0] =	ssyncset.done @!p0 $0x0  }
0x8e: {  	[sflag:s0] =	ssyncadd.s32 @!p0 s1  }
0x8f: {  	[bflag:$0x3] =	sbarrier.arrive $0xFFFF  }
0x90: {  	_ =	shalt  }

</sc_bundles>
